<compile_context>
chip_gen: v7x
topology: tpu7x:2x2x1
jax: 0.10.2.dev20260603
libtpu: 0.0.44.dev20260713+nightly
codegen_flags: <defaults>
</compile_context>

<pallas_src>
import functools

import jax
import jax.numpy as jnp
from jax import lax
from jax.experimental import pallas as pl
from jax.experimental.pallas import tpu as pltpu
from jax.experimental.pallas import tpu_sc as plsc

HASH_BUCKETS = 100
EMB_DIM = 10
BATCH = 16384
HIST_LEN = 200

NUM_CORES = 2
NUM_SUBCORES = 16
NUM_WORKERS = NUM_CORES * NUM_SUBCORES
LANES = 16

WORDS_PER_ROW = HIST_LEN // 4
ROWS_PER_W = BATCH // NUM_WORKERS
GROUPS_PER_W = ROWS_PER_W // LANES
WORDS_PER_W = ROWS_PER_W * WORDS_PER_ROW
BUCKET_CHUNKS = -(-HASH_BUCKETS // LANES)
V_PAD = BUCKET_CHUNKS * LANES

_mesh = plsc.VectorSubcoreMesh(core_axis_name="c", subcore_axis_name="s")


@functools.partial(
    pl.kernel,
    mesh=_mesh,
    out_type=jax.ShapeDtypeStruct((BATCH,), jnp.float32),
    compiler_params=pltpu.CompilerParams(
        needs_layout_passes=False, use_tc_tiling_on_sc=False),
    scratch_types=[
        pltpu.VMEM((WORDS_PER_W,), jnp.int32),
        pltpu.VMEM((HASH_BUCKETS, EMB_DIM), jnp.float32),
        pltpu.VMEM((LANES,), jnp.float32),
        pltpu.VMEM((LANES,), jnp.float32),
        pltpu.VMEM((V_PAD,), jnp.float32),
        pltpu.VMEM((ROWS_PER_W,), jnp.float32),
        pltpu.SemaphoreType.DMA,
    ],
)
def _sc_pool(idx_hbm, tab_hbm, w_hbm, b_hbm, out_hbm,
             idx_v, tab_v, w_v, b_v, v_v, out_v, sem):
    wid = lax.axis_index("s") * NUM_CORES + lax.axis_index("c")
    base = wid * ROWS_PER_W

    idx_cp = pltpu.async_copy(
        idx_hbm.at[pl.ds(wid * WORDS_PER_W, WORDS_PER_W)], idx_v, sem)
    pltpu.sync_copy(tab_hbm, tab_v)
    pltpu.sync_copy(w_hbm, w_v)
    pltpu.sync_copy(b_hbm, b_v)

    lane = lax.iota(jnp.int32, LANES)

    wsplat = [
        plsc.load_gather(w_v, [jnp.full((LANES,), d, jnp.int32)])
        for d in range(EMB_DIM)
    ]

    for c in range(BUCKET_CHUNKS):
        kvec = jnp.minimum(c * LANES + lane, HASH_BUCKETS - 1)
        acc = plsc.load_gather(tab_v, [kvec, jnp.zeros((LANES,), jnp.int32)]) * wsplat[0]
        for d in range(1, EMB_DIM):
            acc = acc + plsc.load_gather(
                tab_v, [kvec, jnp.full((LANES,), d, jnp.int32)]) * wsplat[d]
        v_v[pl.ds(c * LANES, LANES)] = acc

    idx_cp.wait()

    b_vec = b_v[...]
    inv_len = jnp.float32(1.0 / HIST_LEN)
    zeros = jnp.zeros((LANES,), jnp.float32)
    lane_words = lane * WORDS_PER_ROW
    mask_ff = jnp.int32(0xFF)
    UNROLL = 5
    STEPS = WORDS_PER_ROW // UNROLL

    def group_body(g, _):
        base_addr = g * (LANES * WORDS_PER_ROW) + lane_words

        def hist_body(i, acc):
            a0, a1 = acc
            for j in range(UNROLL):
                m = i * UNROLL + j
                w = plsc.load_gather(idx_v, [base_addr + m])
                i0 = w & mask_ff
                i1 = lax.shift_right_logical(w, 8) & mask_ff
                i2 = lax.shift_right_logical(w, 16) & mask_ff
                i3 = lax.shift_right_logical(w, 24)
                a0 = a0 + plsc.load_gather(v_v, [i0])
                a1 = a1 + plsc.load_gather(v_v, [i1])
                a0 = a0 + plsc.load_gather(v_v, [i2])
                a1 = a1 + plsc.load_gather(v_v, [i3])
            return (a0, a1)

        a0, a1 = lax.fori_loop(0, STEPS, hist_body, (zeros, zeros))
        pooled = (a0 + a1) * inv_len + b_vec
        out_v[pl.ds(g * LANES, LANES)] = 1.0 / (1.0 + jnp.exp(-pooled))
        return 0

    lax.fori_loop(0, GROUPS_PER_W, group_body, 0)
    pltpu.sync_copy(out_v, out_hbm.at[pl.ds(base, ROWS_PER_W)])


def kernel(idx, table, W, b):
    idx32 = idx.astype(jnp.int32)
    packed = (idx32[:, 0:50]
              | (idx32[:, 50:100] << 8)
              | (idx32[:, 100:150] << 16)
              | (idx32[:, 150:200] << 24)).reshape(-1)
    w_pad = jnp.pad(W.reshape(-1).astype(jnp.float32),
                    (0, LANES - EMB_DIM))
    b_bc = jnp.broadcast_to(b.reshape(-1).astype(jnp.float32), (LANES,))
    out = _sc_pool(packed, table.astype(jnp.float32), w_pad, b_bc)
    return out.reshape(BATCH, 1)

# --- scband reference (transcript-rebuilt; emitter-appended) ---
"""Pipeline reference for scband-my-model-87522843560447 (READ-ONLY COPY).

The authoritative reference and input builder live on the scoring server;
editing this copy changes nothing except your own understanding.
"""

import jax, jax.numpy as jnp
import numpy as np

HASH_BUCKETS = 100
EMB_DIM = 10
BATCH = 16384
HIST_LEN = 200

def setup_inputs(seed: int = 0) -> dict:
    key = jax.random.key(seed)
    k1, k2, k3 = jax.random.split(key, 3)
    # history of pre-hashed ids, values in [0, hash_bucket_size)
    idx = jax.random.randint(k1, (BATCH, HIST_LEN), 0, HASH_BUCKETS, dtype=jnp.int64)
    # embedding table for the hashed categorical column
    table = jax.random.normal(k2, (HASH_BUCKETS, EMB_DIM), dtype=jnp.float32) * 0.05
    # output Dense(1) layer params
    W = jax.random.normal(k3, (EMB_DIM, 1), dtype=jnp.float32) * 0.3
    b = jnp.zeros((1,), dtype=jnp.float32)
    return {"idx": idx, "table": table, "W": W, "b": b}

def reference(idx, table, W, b):
    # embedding_column with combiner='mean': gather then mean-pool over history
    emb = jnp.take(table, idx, axis=0)          # [B, L, EMB_DIM]
    pooled = jnp.mean(emb, axis=1)              # [B, EMB_DIM]
    # Dense(1, activation='sigmoid')
    out = jax.nn.sigmoid(pooled @ W + b)        # [B, 1]
    return out

if __name__ == "__main__":
    import jax
    _d = setup_inputs()
    print(jax.jit(kernel)(*tuple(_d.values())))

</pallas_src>

<mosaic_0001>
#map = affine_map<(d0, d1) -> (0)>
#map1 = affine_map<(d0, d1) -> (0, 0)>
module attributes {stable_mosaic.version = 14 : i64} {
  func.func @_sc_pool(%arg0: i32, %arg1: i32, %arg2: memref<819200xi32, #tpu.memory_space<hbm>>, %arg3: memref<100x10xf32, #tpu.memory_space<hbm>>, %arg4: memref<16xf32, #tpu.memory_space<hbm>>, %arg5: memref<16xf32, #tpu.memory_space<hbm>>, %arg6: memref<16384xf32, #tpu.memory_space<hbm>>, %arg7: memref<25600xi32, #tpu.memory_space<vmem>>, %arg8: memref<100x10xf32, #tpu.memory_space<vmem>>, %arg9: memref<16xf32, #tpu.memory_space<vmem>>, %arg10: memref<16xf32, #tpu.memory_space<vmem>>, %arg11: memref<112xf32, #tpu.memory_space<vmem>>, %arg12: memref<512xf32, #tpu.memory_space<vmem>>, %arg13: memref<!tpu.dma_semaphore, #tpu.memory_space<semaphore_mem>>) attributes {dimension_semantics = [#tpu.dimension_semantics<core_parallel>, #tpu.dimension_semantics<subcore_parallel>], iteration_bounds = array<i64: 2, 16>, scalar_prefetch = 0 : i64, scratch_operands = 7 : i64, tpu.core_type = #tpu.core_type<sc_vector_subcore>, window_params = [{transform_indices = #map}, {transform_indices = #map1}, {transform_indices = #map}, {transform_indices = #map}, {transform_indices = #map}]} {
    %mul3A = arith.constant 2 : i32
    %mul3A_0 = arith.muli %arg1, %mul3A : i32
    %add3A = arith.addi %mul3A_0, %arg0 : i32
    %mul3A_1 = arith.constant 512 : i32
    %mul3A_2 = arith.muli %add3A, %mul3A_1 : i32
    %mul3A_3 = arith.constant 25600 : i32
    %mul3A_4 = arith.muli %add3A, %mul3A_3 : i32
    %dma_start3A = tpu.memref_slice %arg2[%mul3A_4] : memref<819200xi32, #tpu.memory_space<hbm>> -> memref<25600xi32, #tpu.memory_space<hbm>>
    %dma_start3A_5 = tpu.memref_slice %arg2[%mul3A_4] : memref<819200xi32, #tpu.memory_space<hbm>> -> memref<25600xi32, #tpu.memory_space<hbm>>
    tpu.enqueue_dma source(%dma_start3A_5 : memref<25600xi32, #tpu.memory_space<hbm>>) target(%arg7 : memref<25600xi32, #tpu.memory_space<vmem>>) target_semaphore(%arg13 : memref<!tpu.dma_semaphore, #tpu.memory_space<semaphore_mem>>)
    "tpu.region"() ({
      %run_scoped3A = tpu.sem_alloc : memref<!tpu.dma_semaphore, #tpu.memory_space<semaphore_mem>>
      tpu.enqueue_dma source(%arg3 : memref<100x10xf32, #tpu.memory_space<hbm>>) target(%arg8 : memref<100x10xf32, #tpu.memory_space<vmem>>) target_semaphore(%run_scoped3A : memref<!tpu.dma_semaphore, #tpu.memory_space<semaphore_mem>>)
      tpu.wait_dma2 semaphore(%run_scoped3A : memref<!tpu.dma_semaphore, #tpu.memory_space<semaphore_mem>>) src(%arg3 : memref<100x10xf32, #tpu.memory_space<hbm>>) dst(%arg8 : memref<100x10xf32, #tpu.memory_space<vmem>>)
      tpu.yield
    }) : () -> ()
    "tpu.region"() ({
      %run_scoped3A = tpu.sem_alloc : memref<!tpu.dma_semaphore, #tpu.memory_space<semaphore_mem>>
      tpu.enqueue_dma source(%arg4 : memref<16xf32, #tpu.memory_space<hbm>>) target(%arg9 : memref<16xf32, #tpu.memory_space<vmem>>) target_semaphore(%run_scoped3A : memref<!tpu.dma_semaphore, #tpu.memory_space<semaphore_mem>>)
      tpu.wait_dma2 semaphore(%run_scoped3A : memref<!tpu.dma_semaphore, #tpu.memory_space<semaphore_mem>>) src(%arg4 : memref<16xf32, #tpu.memory_space<hbm>>) dst(%arg9 : memref<16xf32, #tpu.memory_space<vmem>>)
      tpu.yield
    }) : () -> ()
    "tpu.region"() ({
      %run_scoped3A = tpu.sem_alloc : memref<!tpu.dma_semaphore, #tpu.memory_space<semaphore_mem>>
      tpu.enqueue_dma source(%arg5 : memref<16xf32, #tpu.memory_space<hbm>>) target(%arg10 : memref<16xf32, #tpu.memory_space<vmem>>) target_semaphore(%run_scoped3A : memref<!tpu.dma_semaphore, #tpu.memory_space<semaphore_mem>>)
      tpu.wait_dma2 semaphore(%run_scoped3A : memref<!tpu.dma_semaphore, #tpu.memory_space<semaphore_mem>>) src(%arg5 : memref<16xf32, #tpu.memory_space<hbm>>) dst(%arg10 : memref<16xf32, #tpu.memory_space<vmem>>)
      tpu.yield
    }) : () -> ()
    %iota3A = tpu.iota {dimensions = array<i32: 0>} : vector<16xi32>
    %broadcast_in_dim3A = arith.constant 0 : i32
    %broadcast_in_dim3A_6 = vector.broadcast %broadcast_in_dim3A : i32 to vector<16xi32>
    %gather3A = tpu.vector_load_idx %arg9[%broadcast_in_dim3A_6] : memref<16xf32, #tpu.memory_space<vmem>>[vector<16xi32>], vector<16xf32>,
    %broadcast_in_dim3A_7 = arith.constant 1 : i32
    %broadcast_in_dim3A_8 = vector.broadcast %broadcast_in_dim3A_7 : i32 to vector<16xi32>
    %gather3A_9 = tpu.vector_load_idx %arg9[%broadcast_in_dim3A_8] : memref<16xf32, #tpu.memory_space<vmem>>[vector<16xi32>], vector<16xf32>,
    %broadcast_in_dim3A_10 = arith.constant 2 : i32
    %broadcast_in_dim3A_11 = vector.broadcast %broadcast_in_dim3A_10 : i32 to vector<16xi32>
    %gather3A_12 = tpu.vector_load_idx %arg9[%broadcast_in_dim3A_11] : memref<16xf32, #tpu.memory_space<vmem>>[vector<16xi32>], vector<16xf32>,
    %broadcast_in_dim3A_13 = arith.constant 3 : i32
    %broadcast_in_dim3A_14 = vector.broadcast %broadcast_in_dim3A_13 : i32 to vector<16xi32>
    %gather3A_15 = tpu.vector_load_idx %arg9[%broadcast_in_dim3A_14] : memref<16xf32, #tpu.memory_space<vmem>>[vector<16xi32>], vector<16xf32>,
    %broadcast_in_dim3A_16 = arith.constant 4 : i32
    %broadcast_in_dim3A_17 = vector.broadcast %broadcast_in_dim3A_16 : i32 to vector<16xi32>
    %gather3A_18 = tpu.vector_load_idx %arg9[%broadcast_in_dim3A_17] : memref<16xf32, #tpu.memory_space<vmem>>[vector<16xi32>], vector<16xf32>,
    %broadcast_in_dim3A_19 = arith.constant 5 : i32
    %broadcast_in_dim3A_20 = vector.broadcast %broadcast_in_dim3A_19 : i32 to vector<16xi32>
    %gather3A_21 = tpu.vector_load_idx %arg9[%broadcast_in_dim3A_20] : memref<16xf32, #tpu.memory_space<vmem>>[vector<16xi32>], vector<16xf32>,
    %broadcast_in_dim3A_22 = arith.constant 6 : i32
    %broadcast_in_dim3A_23 = vector.broadcast %broadcast_in_dim3A_22 : i32 to vector<16xi32>
    %gather3A_24 = tpu.vector_load_idx %arg9[%broadcast_in_dim3A_23] : memref<16xf32, #tpu.memory_space<vmem>>[vector<16xi32>], vector<16xf32>,
    %broadcast_in_dim3A_25 = arith.constant 7 : i32
    %broadcast_in_dim3A_26 = vector.broadcast %broadcast_in_dim3A_25 : i32 to vector<16xi32>
    %gather3A_27 = tpu.vector_load_idx %arg9[%broadcast_in_dim3A_26] : memref<16xf32, #tpu.memory_space<vmem>>[vector<16xi32>], vector<16xf32>,
    %broadcast_in_dim3A_28 = arith.constant 8 : i32
    %broadcast_in_dim3A_29 = vector.broadcast %broadcast_in_dim3A_28 : i32 to vector<16xi32>
    %gather3A_30 = tpu.vector_load_idx %arg9[%broadcast_in_dim3A_29] : memref<16xf32, #tpu.memory_space<vmem>>[vector<16xi32>], vector<16xf32>,
    %broadcast_in_dim3A_31 = arith.constant 9 : i32
    %broadcast_in_dim3A_32 = vector.broadcast %broadcast_in_dim3A_31 : i32 to vector<16xi32>
    %gather3A_33 = tpu.vector_load_idx %arg9[%broadcast_in_dim3A_32] : memref<16xf32, #tpu.memory_space<vmem>>[vector<16xi32>], vector<16xf32>,
    %add3A_34 = arith.constant 0 : i32
    %add3A_35 = vector.broadcast %add3A_34 : i32 to vector<16xi32>
    %add3A_36 = arith.addi %add3A_35, %iota3A : vector<16xi32>
    %min3A = arith.constant 99 : i32
    %min3A_37 = vector.broadcast %min3A : i32 to vector<16xi32>
    %min3A_38 = arith.minsi %add3A_36, %min3A_37 : vector<16xi32>
    %broadcast_in_dim3A_39 = arith.constant 0 : i32
    %broadcast_in_dim3A_40 = vector.broadcast %broadcast_in_dim3A_39 : i32 to vector<16xi32>
    %gather3A_41 = tpu.vector_load_idx %arg8[%min3A_38, %broadcast_in_dim3A_40] : memref<100x10xf32, #tpu.memory_space<vmem>>[vector<16xi32>, vector<16xi32>], vector<16xf32>,
    %mul3A_42 = arith.mulf %gather3A_41, %gather3A : vector<16xf32>
    %broadcast_in_dim3A_43 = arith.constant 1 : i32
    %broadcast_in_dim3A_44 = vector.broadcast %broadcast_in_dim3A_43 : i32 to vector<16xi32>
    %gather3A_45 = tpu.vector_load_idx %arg8[%min3A_38, %broadcast_in_dim3A_44] : memref<100x10xf32, #tpu.memory_space<vmem>>[vector<16xi32>, vector<16xi32>], vector<16xf32>,
    %mul3A_46 = arith.mulf %gather3A_45, %gather3A_9 : vector<16xf32>
    %add3A_47 = arith.addf %mul3A_42, %mul3A_46 : vector<16xf32>
    %broadcast_in_dim3A_48 = arith.constant 2 : i32
    %broadcast_in_dim3A_49 = vector.broadcast %broadcast_in_dim3A_48 : i32 to vector<16xi32>
    %gather3A_50 = tpu.vector_load_idx %arg8[%min3A_38, %broadcast_in_dim3A_49] : memref<100x10xf32, #tpu.memory_space<vmem>>[vector<16xi32>, vector<16xi32>], vector<16xf32>,
    %mul3A_51 = arith.mulf %gather3A_50, %gather3A_12 : vector<16xf32>
    %add3A_52 = arith.addf %add3A_47, %mul3A_51 : vector<16xf32>
    %broadcast_in_dim3A_53 = arith.constant 3 : i32
    %broadcast_in_dim3A_54 = vector.broadcast %broadcast_in_dim3A_53 : i32 to vector<16xi32>
    %gather3A_55 = tpu.vector_load_idx %arg8[%min3A_38, %broadcast_in_dim3A_54] : memref<100x10xf32, #tpu.memory_space<vmem>>[vector<16xi32>, vector<16xi32>], vector<16xf32>,
    %mul3A_56 = arith.mulf %gather3A_55, %gather3A_15 : vector<16xf32>
    %add3A_57 = arith.addf %add3A_52, %mul3A_56 : vector<16xf32>
    %broadcast_in_dim3A_58 = arith.constant 4 : i32
    %broadcast_in_dim3A_59 = vector.broadcast %broadcast_in_dim3A_58 : i32 to vector<16xi32>
    %gather3A_60 = tpu.vector_load_idx %arg8[%min3A_38, %broadcast_in_dim3A_59] : memref<100x10xf32, #tpu.memory_space<vmem>>[vector<16xi32>, vector<16xi32>], vector<16xf32>,
    %mul3A_61 = arith.mulf %gather3A_60, %gather3A_18 : vector<16xf32>
    %add3A_62 = arith.addf %add3A_57, %mul3A_61 : vector<16xf32>
    %broadcast_in_dim3A_63 = arith.constant 5 : i32
    %broadcast_in_dim3A_64 = vector.broadcast %broadcast_in_dim3A_63 : i32 to vector<16xi32>
    %gather3A_65 = tpu.vector_load_idx %arg8[%min3A_38, %broadcast_in_dim3A_64] : memref<100x10xf32, #tpu.memory_space<vmem>>[vector<16xi32>, vector<16xi32>], vector<16xf32>,
    %mul3A_66 = arith.mulf %gather3A_65, %gather3A_21 : vector<16xf32>
    %add3A_67 = arith.addf %add3A_62, %mul3A_66 : vector<16xf32>
    %broadcast_in_dim3A_68 = arith.constant 6 : i32
    %broadcast_in_dim3A_69 = vector.broadcast %broadcast_in_dim3A_68 : i32 to vector<16xi32>
    %gather3A_70 = tpu.vector_load_idx %arg8[%min3A_38, %broadcast_in_dim3A_69] : memref<100x10xf32, #tpu.memory_space<vmem>>[vector<16xi32>, vector<16xi32>], vector<16xf32>,
    %mul3A_71 = arith.mulf %gather3A_70, %gather3A_24 : vector<16xf32>
    %add3A_72 = arith.addf %add3A_67, %mul3A_71 : vector<16xf32>
    %broadcast_in_dim3A_73 = arith.constant 7 : i32
    %broadcast_in_dim3A_74 = vector.broadcast %broadcast_in_dim3A_73 : i32 to vector<16xi32>
    %gather3A_75 = tpu.vector_load_idx %arg8[%min3A_38, %broadcast_in_dim3A_74] : memref<100x10xf32, #tpu.memory_space<vmem>>[vector<16xi32>, vector<16xi32>], vector<16xf32>,
    %mul3A_76 = arith.mulf %gather3A_75, %gather3A_27 : vector<16xf32>
    %add3A_77 = arith.addf %add3A_72, %mul3A_76 : vector<16xf32>
    %broadcast_in_dim3A_78 = arith.constant 8 : i32
    %broadcast_in_dim3A_79 = vector.broadcast %broadcast_in_dim3A_78 : i32 to vector<16xi32>
    %gather3A_80 = tpu.vector_load_idx %arg8[%min3A_38, %broadcast_in_dim3A_79] : memref<100x10xf32, #tpu.memory_space<vmem>>[vector<16xi32>, vector<16xi32>], vector<16xf32>,
    %mul3A_81 = arith.mulf %gather3A_80, %gather3A_30 : vector<16xf32>
    %add3A_82 = arith.addf %add3A_77, %mul3A_81 : vector<16xf32>
    %broadcast_in_dim3A_83 = arith.constant 9 : i32
    %broadcast_in_dim3A_84 = vector.broadcast %broadcast_in_dim3A_83 : i32 to vector<16xi32>
    %gather3A_85 = tpu.vector_load_idx %arg8[%min3A_38, %broadcast_in_dim3A_84] : memref<100x10xf32, #tpu.memory_space<vmem>>[vector<16xi32>, vector<16xi32>], vector<16xf32>,
    %mul3A_86 = arith.mulf %gather3A_85, %gather3A_33 : vector<16xf32>
    %add3A_87 = arith.addf %add3A_82, %mul3A_86 : vector<16xf32>
    %swap3A = arith.constant 0 : index
    %swap3A_88 = tpu.vector_load %arg11[%swap3A] {strides = array<i32>} : memref<112xf32, #tpu.memory_space<vmem>>, vector<16xf32>,
    tpu.vector_store %arg11[%swap3A], %add3A_87 {strides = array<i32>} : memref<112xf32, #tpu.memory_space<vmem>>, vector<16xf32>,
    %add3A_89 = arith.constant 16 : i32
    %add3A_90 = vector.broadcast %add3A_89 : i32 to vector<16xi32>
    %add3A_91 = arith.addi %add3A_90, %iota3A : vector<16xi32>
    %min3A_92 = arith.constant 99 : i32
    %min3A_93 = vector.broadcast %min3A_92 : i32 to vector<16xi32>
    %min3A_94 = arith.minsi %add3A_91, %min3A_93 : vector<16xi32>
    %broadcast_in_dim3A_95 = arith.constant 0 : i32
    %broadcast_in_dim3A_96 = vector.broadcast %broadcast_in_dim3A_95 : i32 to vector<16xi32>
    %gather3A_97 = tpu.vector_load_idx %arg8[%min3A_94, %broadcast_in_dim3A_96] : memref<100x10xf32, #tpu.memory_space<vmem>>[vector<16xi32>, vector<16xi32>], vector<16xf32>,
    %mul3A_98 = arith.mulf %gather3A_97, %gather3A : vector<16xf32>
    %broadcast_in_dim3A_99 = arith.constant 1 : i32
    %broadcast_in_dim3A_100 = vector.broadcast %broadcast_in_dim3A_99 : i32 to vector<16xi32>
    %gather3A_101 = tpu.vector_load_idx %arg8[%min3A_94, %broadcast_in_dim3A_100] : memref<100x10xf32, #tpu.memory_space<vmem>>[vector<16xi32>, vector<16xi32>], vector<16xf32>,
    %mul3A_102 = arith.mulf %gather3A_101, %gather3A_9 : vector<16xf32>
    %add3A_103 = arith.addf %mul3A_98, %mul3A_102 : vector<16xf32>
    %broadcast_in_dim3A_104 = arith.constant 2 : i32
    %broadcast_in_dim3A_105 = vector.broadcast %broadcast_in_dim3A_104 : i32 to vector<16xi32>
    %gather3A_106 = tpu.vector_load_idx %arg8[%min3A_94, %broadcast_in_dim3A_105] : memref<100x10xf32, #tpu.memory_space<vmem>>[vector<16xi32>, vector<16xi32>], vector<16xf32>,
    %mul3A_107 = arith.mulf %gather3A_106, %gather3A_12 : vector<16xf32>
    %add3A_108 = arith.addf %add3A_103, %mul3A_107 : vector<16xf32>
    %broadcast_in_dim3A_109 = arith.constant 3 : i32
    %broadcast_in_dim3A_110 = vector.broadcast %broadcast_in_dim3A_109 : i32 to vector<16xi32>
    %gather3A_111 = tpu.vector_load_idx %arg8[%min3A_94, %broadcast_in_dim3A_110] : memref<100x10xf32, #tpu.memory_space<vmem>>[vector<16xi32>, vector<16xi32>], vector<16xf32>,
    %mul3A_112 = arith.mulf %gather3A_111, %gather3A_15 : vector<16xf32>
    %add3A_113 = arith.addf %add3A_108, %mul3A_112 : vector<16xf32>
    %broadcast_in_dim3A_114 = arith.constant 4 : i32
    %broadcast_in_dim3A_115 = vector.broadcast %broadcast_in_dim3A_114 : i32 to vector<16xi32>
    %gather3A_116 = tpu.vector_load_idx %arg8[%min3A_94, %broadcast_in_dim3A_115] : memref<100x10xf32, #tpu.memory_space<vmem>>[vector<16xi32>, vector<16xi32>], vector<16xf32>,
    %mul3A_117 = arith.mulf %gather3A_116, %gather3A_18 : vector<16xf32>
    %add3A_118 = arith.addf %add3A_113, %mul3A_117 : vector<16xf32>
    %broadcast_in_dim3A_119 = arith.constant 5 : i32
    %broadcast_in_dim3A_120 = vector.broadcast %broadcast_in_dim3A_119 : i32 to vector<16xi32>
    %gather3A_121 = tpu.vector_load_idx %arg8[%min3A_94, %broadcast_in_dim3A_120] : memref<100x10xf32, #tpu.memory_space<vmem>>[vector<16xi32>, vector<16xi32>], vector<16xf32>,
    %mul3A_122 = arith.mulf %gather3A_121, %gather3A_21 : vector<16xf32>
    %add3A_123 = arith.addf %add3A_118, %mul3A_122 : vector<16xf32>
    %broadcast_in_dim3A_124 = arith.constant 6 : i32
    %broadcast_in_dim3A_125 = vector.broadcast %broadcast_in_dim3A_124 : i32 to vector<16xi32>
    %gather3A_126 = tpu.vector_load_idx %arg8[%min3A_94, %broadcast_in_dim3A_125] : memref<100x10xf32, #tpu.memory_space<vmem>>[vector<16xi32>, vector<16xi32>], vector<16xf32>,
    %mul3A_127 = arith.mulf %gather3A_126, %gather3A_24 : vector<16xf32>
    %add3A_128 = arith.addf %add3A_123, %mul3A_127 : vector<16xf32>
    %broadcast_in_dim3A_129 = arith.constant 7 : i32
    %broadcast_in_dim3A_130 = vector.broadcast %broadcast_in_dim3A_129 : i32 to vector<16xi32>
    %gather3A_131 = tpu.vector_load_idx %arg8[%min3A_94, %broadcast_in_dim3A_130] : memref<100x10xf32, #tpu.memory_space<vmem>>[vector<16xi32>, vector<16xi32>], vector<16xf32>,
    %mul3A_132 = arith.mulf %gather3A_131, %gather3A_27 : vector<16xf32>
    %add3A_133 = arith.addf %add3A_128, %mul3A_132 : vector<16xf32>
    %broadcast_in_dim3A_134 = arith.constant 8 : i32
    %broadcast_in_dim3A_135 = vector.broadcast %broadcast_in_dim3A_134 : i32 to vector<16xi32>
    %gather3A_136 = tpu.vector_load_idx %arg8[%min3A_94, %broadcast_in_dim3A_135] : memref<100x10xf32, #tpu.memory_space<vmem>>[vector<16xi32>, vector<16xi32>], vector<16xf32>,
    %mul3A_137 = arith.mulf %gather3A_136, %gather3A_30 : vector<16xf32>
    %add3A_138 = arith.addf %add3A_133, %mul3A_137 : vector<16xf32>
    %broadcast_in_dim3A_139 = arith.constant 9 : i32
    %broadcast_in_dim3A_140 = vector.broadcast %broadcast_in_dim3A_139 : i32 to vector<16xi32>
    %gather3A_141 = tpu.vector_load_idx %arg8[%min3A_94, %broadcast_in_dim3A_140] : memref<100x10xf32, #tpu.memory_space<vmem>>[vector<16xi32>, vector<16xi32>], vector<16xf32>,
    %mul3A_142 = arith.mulf %gather3A_141, %gather3A_33 : vector<16xf32>
    %add3A_143 = arith.addf %add3A_138, %mul3A_142 : vector<16xf32>
    %swap3A_144 = arith.constant 16 : index
    %swap3A_145 = tpu.vector_load %arg11[%swap3A_144] {strides = array<i32>} : memref<112xf32, #tpu.memory_space<vmem>>, vector<16xf32>,
    tpu.vector_store %arg11[%swap3A_144], %add3A_143 {strides = array<i32>} : memref<112xf32, #tpu.memory_space<vmem>>, vector<16xf32>,
    %add3A_146 = arith.constant 32 : i32
    %add3A_147 = vector.broadcast %add3A_146 : i32 to vector<16xi32>
    %add3A_148 = arith.addi %add3A_147, %iota3A : vector<16xi32>
    %min3A_149 = arith.constant 99 : i32
    %min3A_150 = vector.broadcast %min3A_149 : i32 to vector<16xi32>
    %min3A_151 = arith.minsi %add3A_148, %min3A_150 : vector<16xi32>
    %broadcast_in_dim3A_152 = arith.constant 0 : i32
    %broadcast_in_dim3A_153 = vector.broadcast %broadcast_in_dim3A_152 : i32 to vector<16xi32>
    %gather3A_154 = tpu.vector_load_idx %arg8[%min3A_151, %broadcast_in_dim3A_153] : memref<100x10xf32, #tpu.memory_space<vmem>>[vector<16xi32>, vector<16xi32>], vector<16xf32>,
    %mul3A_155 = arith.mulf %gather3A_154, %gather3A : vector<16xf32>
    %broadcast_in_dim3A_156 = arith.constant 1 : i32
    %broadcast_in_dim3A_157 = vector.broadcast %broadcast_in_dim3A_156 : i32 to vector<16xi32>
    %gather3A_158 = tpu.vector_load_idx %arg8[%min3A_151, %broadcast_in_dim3A_157] : memref<100x10xf32, #tpu.memory_space<vmem>>[vector<16xi32>, vector<16xi32>], vector<16xf32>,
    %mul3A_159 = arith.mulf %gather3A_158, %gather3A_9 : vector<16xf32>
    %add3A_160 = arith.addf %mul3A_155, %mul3A_159 : vector<16xf32>
    %broadcast_in_dim3A_161 = arith.constant 2 : i32
    %broadcast_in_dim3A_162 = vector.broadcast %broadcast_in_dim3A_161 : i32 to vector<16xi32>
    %gather3A_163 = tpu.vector_load_idx %arg8[%min3A_151, %broadcast_in_dim3A_162] : memref<100x10xf32, #tpu.memory_space<vmem>>[vector<16xi32>, vector<16xi32>], vector<16xf32>,
    %mul3A_164 = arith.mulf %gather3A_163, %gather3A_12 : vector<16xf32>
    %add3A_165 = arith.addf %add3A_160, %mul3A_164 : vector<16xf32>
    %broadcast_in_dim3A_166 = arith.constant 3 : i32
    %broadcast_in_dim3A_167 = vector.broadcast %broadcast_in_dim3A_166 : i32 to vector<16xi32>
    %gather3A_168 = tpu.vector_load_idx %arg8[%min3A_151, %broadcast_in_dim3A_167] : memref<100x10xf32, #tpu.memory_space<vmem>>[vector<16xi32>, vector<16xi32>], vector<16xf32>,
    %mul3A_169 = arith.mulf %gather3A_168, %gather3A_15 : vector<16xf32>
    %add3A_170 = arith.addf %add3A_165, %mul3A_169 : vector<16xf32>
    %broadcast_in_dim3A_171 = arith.constant 4 : i32
    %broadcast_in_dim3A_172 = vector.broadcast %broadcast_in_dim3A_171 : i32 to vector<16xi32>
    %gather3A_173 = tpu.vector_load_idx %arg8[%min3A_151, %broadcast_in_dim3A_172] : memref<100x10xf32, #tpu.memory_space<vmem>>[vector<16xi32>, vector<16xi32>], vector<16xf32>,
    %mul3A_174 = arith.mulf %gather3A_173, %gather3A_18 : vector<16xf32>
    %add3A_175 = arith.addf %add3A_170, %mul3A_174 : vector<16xf32>
    %broadcast_in_dim3A_176 = arith.constant 5 : i32
    %broadcast_in_dim3A_177 = vector.broadcast %broadcast_in_dim3A_176 : i32 to vector<16xi32>
    %gather3A_178 = tpu.vector_load_idx %arg8[%min3A_151, %broadcast_in_dim3A_177] : memref<100x10xf32, #tpu.memory_space<vmem>>[vector<16xi32>, vector<16xi32>], vector<16xf32>,
    %mul3A_179 = arith.mulf %gather3A_178, %gather3A_21 : vector<16xf32>
    %add3A_180 = arith.addf %add3A_175, %mul3A_179 : vector<16xf32>
    %broadcast_in_dim3A_181 = arith.constant 6 : i32
    %broadcast_in_dim3A_182 = vector.broadcast %broadcast_in_dim3A_181 : i32 to vector<16xi32>
    %gather3A_183 = tpu.vector_load_idx %arg8[%min3A_151, %broadcast_in_dim3A_182] : memref<100x10xf32, #tpu.memory_space<vmem>>[vector<16xi32>, vector<16xi32>], vector<16xf32>,
    %mul3A_184 = arith.mulf %gather3A_183, %gather3A_24 : vector<16xf32>
    %add3A_185 = arith.addf %add3A_180, %mul3A_184 : vector<16xf32>
    %broadcast_in_dim3A_186 = arith.constant 7 : i32
    %broadcast_in_dim3A_187 = vector.broadcast %broadcast_in_dim3A_186 : i32 to vector<16xi32>
    %gather3A_188 = tpu.vector_load_idx %arg8[%min3A_151, %broadcast_in_dim3A_187] : memref<100x10xf32, #tpu.memory_space<vmem>>[vector<16xi32>, vector<16xi32>], vector<16xf32>,
    %mul3A_189 = arith.mulf %gather3A_188, %gather3A_27 : vector<16xf32>
    %add3A_190 = arith.addf %add3A_185, %mul3A_189 : vector<16xf32>
    %broadcast_in_dim3A_191 = arith.constant 8 : i32
    %broadcast_in_dim3A_192 = vector.broadcast %broadcast_in_dim3A_191 : i32 to vector<16xi32>
    %gather3A_193 = tpu.vector_load_idx %arg8[%min3A_151, %broadcast_in_dim3A_192] : memref<100x10xf32, #tpu.memory_space<vmem>>[vector<16xi32>, vector<16xi32>], vector<16xf32>,
    %mul3A_194 = arith.mulf %gather3A_193, %gather3A_30 : vector<16xf32>
    %add3A_195 = arith.addf %add3A_190, %mul3A_194 : vector<16xf32>
    %broadcast_in_dim3A_196 = arith.constant 9 : i32
    %broadcast_in_dim3A_197 = vector.broadcast %broadcast_in_dim3A_196 : i32 to vector<16xi32>
    %gather3A_198 = tpu.vector_load_idx %arg8[%min3A_151, %broadcast_in_dim3A_197] : memref<100x10xf32, #tpu.memory_space<vmem>>[vector<16xi32>, vector<16xi32>], vector<16xf32>,
    %mul3A_199 = arith.mulf %gather3A_198, %gather3A_33 : vector<16xf32>
    %add3A_200 = arith.addf %add3A_195, %mul3A_199 : vector<16xf32>
    %swap3A_201 = arith.constant 32 : index
    %swap3A_202 = tpu.vector_load %arg11[%swap3A_201] {strides = array<i32>} : memref<112xf32, #tpu.memory_space<vmem>>, vector<16xf32>,
    tpu.vector_store %arg11[%swap3A_201], %add3A_200 {strides = array<i32>} : memref<112xf32, #tpu.memory_space<vmem>>, vector<16xf32>,
    %add3A_203 = arith.constant 48 : i32
    %add3A_204 = vector.broadcast %add3A_203 : i32 to vector<16xi32>
    %add3A_205 = arith.addi %add3A_204, %iota3A : vector<16xi32>
    %min3A_206 = arith.constant 99 : i32
    %min3A_207 = vector.broadcast %min3A_206 : i32 to vector<16xi32>
    %min3A_208 = arith.minsi %add3A_205, %min3A_207 : vector<16xi32>
    %broadcast_in_dim3A_209 = arith.constant 0 : i32
    %broadcast_in_dim3A_210 = vector.broadcast %broadcast_in_dim3A_209 : i32 to vector<16xi32>
    %gather3A_211 = tpu.vector_load_idx %arg8[%min3A_208, %broadcast_in_dim3A_210] : memref<100x10xf32, #tpu.memory_space<vmem>>[vector<16xi32>, vector<16xi32>], vector<16xf32>,
    %mul3A_212 = arith.mulf %gather3A_211, %gather3A : vector<16xf32>
    %broadcast_in_dim3A_213 = arith.constant 1 : i32
    %broadcast_in_dim3A_214 = vector.broadcast %broadcast_in_dim3A_213 : i32 to vector<16xi32>
    %gather3A_215 = tpu.vector_load_idx %arg8[%min3A_208, %broadcast_in_dim3A_214] : memref<100x10xf32, #tpu.memory_space<vmem>>[vector<16xi32>, vector<16xi32>], vector<16xf32>,
    %mul3A_216 = arith.mulf %gather3A_215, %gather3A_9 : vector<16xf32>
    %add3A_217 = arith.addf %mul3A_212, %mul3A_216 : vector<16xf32>
    %broadcast_in_dim3A_218 = arith.constant 2 : i32
    %broadcast_in_dim3A_219 = vector.broadcast %broadcast_in_dim3A_218 : i32 to vector<16xi32>
    %gather3A_220 = tpu.vector_load_idx %arg8[%min3A_208, %broadcast_in_dim3A_219] : memref<100x10xf32, #tpu.memory_space<vmem>>[vector<16xi32>, vector<16xi32>], vector<16xf32>,
    %mul3A_221 = arith.mulf %gather3A_220, %gather3A_12 : vector<16xf32>
    %add3A_222 = arith.addf %add3A_217, %mul3A_221 : vector<16xf32>
    %broadcast_in_dim3A_223 = arith.constant 3 : i32
    %broadcast_in_dim3A_224 = vector.broadcast %broadcast_in_dim3A_223 : i32 to vector<16xi32>
    %gather3A_225 = tpu.vector_load_idx %arg8[%min3A_208, %broadcast_in_dim3A_224] : memref<100x10xf32, #tpu.memory_space<vmem>>[vector<16xi32>, vector<16xi32>], vector<16xf32>,
    %mul3A_226 = arith.mulf %gather3A_225, %gather3A_15 : vector<16xf32>
    %add3A_227 = arith.addf %add3A_222, %mul3A_226 : vector<16xf32>
    %broadcast_in_dim3A_228 = arith.constant 4 : i32
    %broadcast_in_dim3A_229 = vector.broadcast %broadcast_in_dim3A_228 : i32 to vector<16xi32>
    %gather3A_230 = tpu.vector_load_idx %arg8[%min3A_208, %broadcast_in_dim3A_229] : memref<100x10xf32, #tpu.memory_space<vmem>>[vector<16xi32>, vector<16xi32>], vector<16xf32>,
    %mul3A_231 = arith.mulf %gather3A_230, %gather3A_18 : vector<16xf32>
    %add3A_232 = arith.addf %add3A_227, %mul3A_231 : vector<16xf32>
    %broadcast_in_dim3A_233 = arith.constant 5 : i32
    %broadcast_in_dim3A_234 = vector.broadcast %broadcast_in_dim3A_233 : i32 to vector<16xi32>
    %gather3A_235 = tpu.vector_load_idx %arg8[%min3A_208, %broadcast_in_dim3A_234] : memref<100x10xf32, #tpu.memory_space<vmem>>[vector<16xi32>, vector<16xi32>], vector<16xf32>,
    %mul3A_236 = arith.mulf %gather3A_235, %gather3A_21 : vector<16xf32>
    %add3A_237 = arith.addf %add3A_232, %mul3A_236 : vector<16xf32>
    %broadcast_in_dim3A_238 = arith.constant 6 : i32
    %broadcast_in_dim3A_239 = vector.broadcast %broadcast_in_dim3A_238 : i32 to vector<16xi32>
    %gather3A_240 = tpu.vector_load_idx %arg8[%min3A_208, %broadcast_in_dim3A_239] : memref<100x10xf32, #tpu.memory_space<vmem>>[vector<16xi32>, vector<16xi32>], vector<16xf32>,
    %mul3A_241 = arith.mulf %gather3A_240, %gather3A_24 : vector<16xf32>
    %add3A_242 = arith.addf %add3A_237, %mul3A_241 : vector<16xf32>
    %broadcast_in_dim3A_243 = arith.constant 7 : i32
    %broadcast_in_dim3A_244 = vector.broadcast %broadcast_in_dim3A_243 : i32 to vector<16xi32>
    %gather3A_245 = tpu.vector_load_idx %arg8[%min3A_208, %broadcast_in_dim3A_244] : memref<100x10xf32, #tpu.memory_space<vmem>>[vector<16xi32>, vector<16xi32>], vector<16xf32>,
    %mul3A_246 = arith.mulf %gather3A_245, %gather3A_27 : vector<16xf32>
    %add3A_247 = arith.addf %add3A_242, %mul3A_246 : vector<16xf32>
    %broadcast_in_dim3A_248 = arith.constant 8 : i32
    %broadcast_in_dim3A_249 = vector.broadcast %broadcast_in_dim3A_248 : i32 to vector<16xi32>
    %gather3A_250 = tpu.vector_load_idx %arg8[%min3A_208, %broadcast_in_dim3A_249] : memref<100x10xf32, #tpu.memory_space<vmem>>[vector<16xi32>, vector<16xi32>], vector<16xf32>,
    %mul3A_251 = arith.mulf %gather3A_250, %gather3A_30 : vector<16xf32>
    %add3A_252 = arith.addf %add3A_247, %mul3A_251 : vector<16xf32>
    %broadcast_in_dim3A_253 = arith.constant 9 : i32
    %broadcast_in_dim3A_254 = vector.broadcast %broadcast_in_dim3A_253 : i32 to vector<16xi32>
    %gather3A_255 = tpu.vector_load_idx %arg8[%min3A_208, %broadcast_in_dim3A_254] : memref<100x10xf32, #tpu.memory_space<vmem>>[vector<16xi32>, vector<16xi32>], vector<16xf32>,
    %mul3A_256 = arith.mulf %gather3A_255, %gather3A_33 : vector<16xf32>
    %add3A_257 = arith.addf %add3A_252, %mul3A_256 : vector<16xf32>
    %swap3A_258 = arith.constant 48 : index
    %swap3A_259 = tpu.vector_load %arg11[%swap3A_258] {strides = array<i32>} : memref<112xf32, #tpu.memory_space<vmem>>, vector<16xf32>,
    tpu.vector_store %arg11[%swap3A_258], %add3A_257 {strides = array<i32>} : memref<112xf32, #tpu.memory_space<vmem>>, vector<16xf32>,
    %add3A_260 = arith.constant 64 : i32
    %add3A_261 = vector.broadcast %add3A_260 : i32 to vector<16xi32>
    %add3A_262 = arith.addi %add3A_261, %iota3A : vector<16xi32>
    %min3A_263 = arith.constant 99 : i32
    %min3A_264 = vector.broadcast %min3A_263 : i32 to vector<16xi32>
    %min3A_265 = arith.minsi %add3A_262, %min3A_264 : vector<16xi32>
    %broadcast_in_dim3A_266 = arith.constant 0 : i32
    %broadcast_in_dim3A_267 = vector.broadcast %broadcast_in_dim3A_266 : i32 to vector<16xi32>
    %gather3A_268 = tpu.vector_load_idx %arg8[%min3A_265, %broadcast_in_dim3A_267] : memref<100x10xf32, #tpu.memory_space<vmem>>[vector<16xi32>, vector<16xi32>], vector<16xf32>,
    %mul3A_269 = arith.mulf %gather3A_268, %gather3A : vector<16xf32>
    %broadcast_in_dim3A_270 = arith.constant 1 : i32
    %broadcast_in_dim3A_271 = vector.broadcast %broadcast_in_dim3A_270 : i32 to vector<16xi32>
    %gather3A_272 = tpu.vector_load_idx %arg8[%min3A_265, %broadcast_in_dim3A_271] : memref<100x10xf32, #tpu.memory_space<vmem>>[vector<16xi32>, vector<16xi32>], vector<16xf32>,
    %mul3A_273 = arith.mulf %gather3A_272, %gather3A_9 : vector<16xf32>
    %add3A_274 = arith.addf %mul3A_269, %mul3A_273 : vector<16xf32>
    %broadcast_in_dim3A_275 = arith.constant 2 : i32
    %broadcast_in_dim3A_276 = vector.broadcast %broadcast_in_dim3A_275 : i32 to vector<16xi32>
    %gather3A_277 = tpu.vector_load_idx %arg8[%min3A_265, %broadcast_in_dim3A_276] : memref<100x10xf32, #tpu.memory_space<vmem>>[vector<16xi32>, vector<16xi32>], vector<16xf32>,
    %mul3A_278 = arith.mulf %gather3A_277, %gather3A_12 : vector<16xf32>
    %add3A_279 = arith.addf %add3A_274, %mul3A_278 : vector<16xf32>
    %broadcast_in_dim3A_280 = arith.constant 3 : i32
    %broadcast_in_dim3A_281 = vector.broadcast %broadcast_in_dim3A_280 : i32 to vector<16xi32>
    %gather3A_282 = tpu.vector_load_idx %arg8[%min3A_265, %broadcast_in_dim3A_281] : memref<100x10xf32, #tpu.memory_space<vmem>>[vector<16xi32>, vector<16xi32>], vector<16xf32>,
    %mul3A_283 = arith.mulf %gather3A_282, %gather3A_15 : vector<16xf32>
    %add3A_284 = arith.addf %add3A_279, %mul3A_283 : vector<16xf32>
    %broadcast_in_dim3A_285 = arith.constant 4 : i32
    %broadcast_in_dim3A_286 = vector.broadcast %broadcast_in_dim3A_285 : i32 to vector<16xi32>
    %gather3A_287 = tpu.vector_load_idx %arg8[%min3A_265, %broadcast_in_dim3A_286] : memref<100x10xf32, #tpu.memory_space<vmem>>[vector<16xi32>, vector<16xi32>], vector<16xf32>,
    %mul3A_288 = arith.mulf %gather3A_287, %gather3A_18 : vector<16xf32>
    %add3A_289 = arith.addf %add3A_284, %mul3A_288 : vector<16xf32>
    %broadcast_in_dim3A_290 = arith.constant 5 : i32
    %broadcast_in_dim3A_291 = vector.broadcast %broadcast_in_dim3A_290 : i32 to vector<16xi32>
    %gather3A_292 = tpu.vector_load_idx %arg8[%min3A_265, %broadcast_in_dim3A_291] : memref<100x10xf32, #tpu.memory_space<vmem>>[vector<16xi32>, vector<16xi32>], vector<16xf32>,
    %mul3A_293 = arith.mulf %gather3A_292, %gather3A_21 : vector<16xf32>
    %add3A_294 = arith.addf %add3A_289, %mul3A_293 : vector<16xf32>
    %broadcast_in_dim3A_295 = arith.constant 6 : i32
    %broadcast_in_dim3A_296 = vector.broadcast %broadcast_in_dim3A_295 : i32 to vector<16xi32>
    %gather3A_297 = tpu.vector_load_idx %arg8[%min3A_265, %broadcast_in_dim3A_296] : memref<100x10xf32, #tpu.memory_space<vmem>>[vector<16xi32>, vector<16xi32>], vector<16xf32>,
    %mul3A_298 = arith.mulf %gather3A_297, %gather3A_24 : vector<16xf32>
    %add3A_299 = arith.addf %add3A_294, %mul3A_298 : vector<16xf32>
    %broadcast_in_dim3A_300 = arith.constant 7 : i32
    %broadcast_in_dim3A_301 = vector.broadcast %broadcast_in_dim3A_300 : i32 to vector<16xi32>
    %gather3A_302 = tpu.vector_load_idx %arg8[%min3A_265, %broadcast_in_dim3A_301] : memref<100x10xf32, #tpu.memory_space<vmem>>[vector<16xi32>, vector<16xi32>], vector<16xf32>,
    %mul3A_303 = arith.mulf %gather3A_302, %gather3A_27 : vector<16xf32>
    %add3A_304 = arith.addf %add3A_299, %mul3A_303 : vector<16xf32>
    %broadcast_in_dim3A_305 = arith.constant 8 : i32
    %broadcast_in_dim3A_306 = vector.broadcast %broadcast_in_dim3A_305 : i32 to vector<16xi32>
    %gather3A_307 = tpu.vector_load_idx %arg8[%min3A_265, %broadcast_in_dim3A_306] : memref<100x10xf32, #tpu.memory_space<vmem>>[vector<16xi32>, vector<16xi32>], vector<16xf32>,
    %mul3A_308 = arith.mulf %gather3A_307, %gather3A_30 : vector<16xf32>
    %add3A_309 = arith.addf %add3A_304, %mul3A_308 : vector<16xf32>
    %broadcast_in_dim3A_310 = arith.constant 9 : i32
    %broadcast_in_dim3A_311 = vector.broadcast %broadcast_in_dim3A_310 : i32 to vector<16xi32>
    %gather3A_312 = tpu.vector_load_idx %arg8[%min3A_265, %broadcast_in_dim3A_311] : memref<100x10xf32, #tpu.memory_space<vmem>>[vector<16xi32>, vector<16xi32>], vector<16xf32>,
    %mul3A_313 = arith.mulf %gather3A_312, %gather3A_33 : vector<16xf32>
    %add3A_314 = arith.addf %add3A_309, %mul3A_313 : vector<16xf32>
    %swap3A_315 = arith.constant 64 : index
    %swap3A_316 = tpu.vector_load %arg11[%swap3A_315] {strides = array<i32>} : memref<112xf32, #tpu.memory_space<vmem>>, vector<16xf32>,
    tpu.vector_store %arg11[%swap3A_315], %add3A_314 {strides = array<i32>} : memref<112xf32, #tpu.memory_space<vmem>>, vector<16xf32>,
    %add3A_317 = arith.constant 80 : i32
    %add3A_318 = vector.broadcast %add3A_317 : i32 to vector<16xi32>
    %add3A_319 = arith.addi %add3A_318, %iota3A : vector<16xi32>
    %min3A_320 = arith.constant 99 : i32
    %min3A_321 = vector.broadcast %min3A_320 : i32 to vector<16xi32>
    %min3A_322 = arith.minsi %add3A_319, %min3A_321 : vector<16xi32>
    %broadcast_in_dim3A_323 = arith.constant 0 : i32
    %broadcast_in_dim3A_324 = vector.broadcast %broadcast_in_dim3A_323 : i32 to vector<16xi32>
    %gather3A_325 = tpu.vector_load_idx %arg8[%min3A_322, %broadcast_in_dim3A_324] : memref<100x10xf32, #tpu.memory_space<vmem>>[vector<16xi32>, vector<16xi32>], vector<16xf32>,
    %mul3A_326 = arith.mulf %gather3A_325, %gather3A : vector<16xf32>
    %broadcast_in_dim3A_327 = arith.constant 1 : i32
    %broadcast_in_dim3A_328 = vector.broadcast %broadcast_in_dim3A_327 : i32 to vector<16xi32>
    %gather3A_329 = tpu.vector_load_idx %arg8[%min3A_322, %broadcast_in_dim3A_328] : memref<100x10xf32, #tpu.memory_space<vmem>>[vector<16xi32>, vector<16xi32>], vector<16xf32>,
    %mul3A_330 = arith.mulf %gather3A_329, %gather3A_9 : vector<16xf32>
    %add3A_331 = arith.addf %mul3A_326, %mul3A_330 : vector<16xf32>
    %broadcast_in_dim3A_332 = arith.constant 2 : i32
    %broadcast_in_dim3A_333 = vector.broadcast %broadcast_in_dim3A_332 : i32 to vector<16xi32>
    %gather3A_334 = tpu.vector_load_idx %arg8[%min3A_322, %broadcast_in_dim3A_333] : memref<100x10xf32, #tpu.memory_space<vmem>>[vector<16xi32>, vector<16xi32>], vector<16xf32>,
    %mul3A_335 = arith.mulf %gather3A_334, %gather3A_12 : vector<16xf32>
    %add3A_336 = arith.addf %add3A_331, %mul3A_335 : vector<16xf32>
    %broadcast_in_dim3A_337 = arith.constant 3 : i32
    %broadcast_in_dim3A_338 = vector.broadcast %broadcast_in_dim3A_337 : i32 to vector<16xi32>
    %gather3A_339 = tpu.vector_load_idx %arg8[%min3A_322, %broadcast_in_dim3A_338] : memref<100x10xf32, #tpu.memory_space<vmem>>[vector<16xi32>, vector<16xi32>], vector<16xf32>,
    %mul3A_340 = arith.mulf %gather3A_339, %gather3A_15 : vector<16xf32>
    %add3A_341 = arith.addf %add3A_336, %mul3A_340 : vector<16xf32>
    %broadcast_in_dim3A_342 = arith.constant 4 : i32
    %broadcast_in_dim3A_343 = vector.broadcast %broadcast_in_dim3A_342 : i32 to vector<16xi32>
    %gather3A_344 = tpu.vector_load_idx %arg8[%min3A_322, %broadcast_in_dim3A_343] : memref<100x10xf32, #tpu.memory_space<vmem>>[vector<16xi32>, vector<16xi32>], vector<16xf32>,
    %mul3A_345 = arith.mulf %gather3A_344, %gather3A_18 : vector<16xf32>
    %add3A_346 = arith.addf %add3A_341, %mul3A_345 : vector<16xf32>
    %broadcast_in_dim3A_347 = arith.constant 5 : i32
    %broadcast_in_dim3A_348 = vector.broadcast %broadcast_in_dim3A_347 : i32 to vector<16xi32>
    %gather3A_349 = tpu.vector_load_idx %arg8[%min3A_322, %broadcast_in_dim3A_348] : memref<100x10xf32, #tpu.memory_space<vmem>>[vector<16xi32>, vector<16xi32>], vector<16xf32>,
    %mul3A_350 = arith.mulf %gather3A_349, %gather3A_21 : vector<16xf32>
    %add3A_351 = arith.addf %add3A_346, %mul3A_350 : vector<16xf32>
    %broadcast_in_dim3A_352 = arith.constant 6 : i32
    %broadcast_in_dim3A_353 = vector.broadcast %broadcast_in_dim3A_352 : i32 to vector<16xi32>
    %gather3A_354 = tpu.vector_load_idx %arg8[%min3A_322, %broadcast_in_dim3A_353] : memref<100x10xf32, #tpu.memory_space<vmem>>[vector<16xi32>, vector<16xi32>], vector<16xf32>,
    %mul3A_355 = arith.mulf %gather3A_354, %gather3A_24 : vector<16xf32>
    %add3A_356 = arith.addf %add3A_351, %mul3A_355 : vector<16xf32>
    %broadcast_in_dim3A_357 = arith.constant 7 : i32
    %broadcast_in_dim3A_358 = vector.broadcast %broadcast_in_dim3A_357 : i32 to vector<16xi32>
    %gather3A_359 = tpu.vector_load_idx %arg8[%min3A_322, %broadcast_in_dim3A_358] : memref<100x10xf32, #tpu.memory_space<vmem>>[vector<16xi32>, vector<16xi32>], vector<16xf32>,
    %mul3A_360 = arith.mulf %gather3A_359, %gather3A_27 : vector<16xf32>
    %add3A_361 = arith.addf %add3A_356, %mul3A_360 : vector<16xf32>
    %broadcast_in_dim3A_362 = arith.constant 8 : i32
    %broadcast_in_dim3A_363 = vector.broadcast %broadcast_in_dim3A_362 : i32 to vector<16xi32>
    %gather3A_364 = tpu.vector_load_idx %arg8[%min3A_322, %broadcast_in_dim3A_363] : memref<100x10xf32, #tpu.memory_space<vmem>>[vector<16xi32>, vector<16xi32>], vector<16xf32>,
    %mul3A_365 = arith.mulf %gather3A_364, %gather3A_30 : vector<16xf32>
    %add3A_366 = arith.addf %add3A_361, %mul3A_365 : vector<16xf32>
    %broadcast_in_dim3A_367 = arith.constant 9 : i32
    %broadcast_in_dim3A_368 = vector.broadcast %broadcast_in_dim3A_367 : i32 to vector<16xi32>
    %gather3A_369 = tpu.vector_load_idx %arg8[%min3A_322, %broadcast_in_dim3A_368] : memref<100x10xf32, #tpu.memory_space<vmem>>[vector<16xi32>, vector<16xi32>], vector<16xf32>,
    %mul3A_370 = arith.mulf %gather3A_369, %gather3A_33 : vector<16xf32>
    %add3A_371 = arith.addf %add3A_366, %mul3A_370 : vector<16xf32>
    %swap3A_372 = arith.constant 80 : index
    %swap3A_373 = tpu.vector_load %arg11[%swap3A_372] {strides = array<i32>} : memref<112xf32, #tpu.memory_space<vmem>>, vector<16xf32>,
    tpu.vector_store %arg11[%swap3A_372], %add3A_371 {strides = array<i32>} : memref<112xf32, #tpu.memory_space<vmem>>, vector<16xf32>,
    %add3A_374 = arith.constant 96 : i32
    %add3A_375 = vector.broadcast %add3A_374 : i32 to vector<16xi32>
    %add3A_376 = arith.addi %add3A_375, %iota3A : vector<16xi32>
    %min3A_377 = arith.constant 99 : i32
    %min3A_378 = vector.broadcast %min3A_377 : i32 to vector<16xi32>
    %min3A_379 = arith.minsi %add3A_376, %min3A_378 : vector<16xi32>
    %broadcast_in_dim3A_380 = arith.constant 0 : i32
    %broadcast_in_dim3A_381 = vector.broadcast %broadcast_in_dim3A_380 : i32 to vector<16xi32>
    %gather3A_382 = tpu.vector_load_idx %arg8[%min3A_379, %broadcast_in_dim3A_381] : memref<100x10xf32, #tpu.memory_space<vmem>>[vector<16xi32>, vector<16xi32>], vector<16xf32>,
    %mul3A_383 = arith.mulf %gather3A_382, %gather3A : vector<16xf32>
    %broadcast_in_dim3A_384 = arith.constant 1 : i32
    %broadcast_in_dim3A_385 = vector.broadcast %broadcast_in_dim3A_384 : i32 to vector<16xi32>
    %gather3A_386 = tpu.vector_load_idx %arg8[%min3A_379, %broadcast_in_dim3A_385] : memref<100x10xf32, #tpu.memory_space<vmem>>[vector<16xi32>, vector<16xi32>], vector<16xf32>,
    %mul3A_387 = arith.mulf %gather3A_386, %gather3A_9 : vector<16xf32>
    %add3A_388 = arith.addf %mul3A_383, %mul3A_387 : vector<16xf32>
    %broadcast_in_dim3A_389 = arith.constant 2 : i32
    %broadcast_in_dim3A_390 = vector.broadcast %broadcast_in_dim3A_389 : i32 to vector<16xi32>
    %gather3A_391 = tpu.vector_load_idx %arg8[%min3A_379, %broadcast_in_dim3A_390] : memref<100x10xf32, #tpu.memory_space<vmem>>[vector<16xi32>, vector<16xi32>], vector<16xf32>,
    %mul3A_392 = arith.mulf %gather3A_391, %gather3A_12 : vector<16xf32>
    %add3A_393 = arith.addf %add3A_388, %mul3A_392 : vector<16xf32>
    %broadcast_in_dim3A_394 = arith.constant 3 : i32
    %broadcast_in_dim3A_395 = vector.broadcast %broadcast_in_dim3A_394 : i32 to vector<16xi32>
    %gather3A_396 = tpu.vector_load_idx %arg8[%min3A_379, %broadcast_in_dim3A_395] : memref<100x10xf32, #tpu.memory_space<vmem>>[vector<16xi32>, vector<16xi32>], vector<16xf32>,
    %mul3A_397 = arith.mulf %gather3A_396, %gather3A_15 : vector<16xf32>
    %add3A_398 = arith.addf %add3A_393, %mul3A_397 : vector<16xf32>
    %broadcast_in_dim3A_399 = arith.constant 4 : i32
    %broadcast_in_dim3A_400 = vector.broadcast %broadcast_in_dim3A_399 : i32 to vector<16xi32>
    %gather3A_401 = tpu.vector_load_idx %arg8[%min3A_379, %broadcast_in_dim3A_400] : memref<100x10xf32, #tpu.memory_space<vmem>>[vector<16xi32>, vector<16xi32>], vector<16xf32>,
    %mul3A_402 = arith.mulf %gather3A_401, %gather3A_18 : vector<16xf32>
    %add3A_403 = arith.addf %add3A_398, %mul3A_402 : vector<16xf32>
    %broadcast_in_dim3A_404 = arith.constant 5 : i32
    %broadcast_in_dim3A_405 = vector.broadcast %broadcast_in_dim3A_404 : i32 to vector<16xi32>
    %gather3A_406 = tpu.vector_load_idx %arg8[%min3A_379, %broadcast_in_dim3A_405] : memref<100x10xf32, #tpu.memory_space<vmem>>[vector<16xi32>, vector<16xi32>], vector<16xf32>,
    %mul3A_407 = arith.mulf %gather3A_406, %gather3A_21 : vector<16xf32>
    %add3A_408 = arith.addf %add3A_403, %mul3A_407 : vector<16xf32>
    %broadcast_in_dim3A_409 = arith.constant 6 : i32
    %broadcast_in_dim3A_410 = vector.broadcast %broadcast_in_dim3A_409 : i32 to vector<16xi32>
    %gather3A_411 = tpu.vector_load_idx %arg8[%min3A_379, %broadcast_in_dim3A_410] : memref<100x10xf32, #tpu.memory_space<vmem>>[vector<16xi32>, vector<16xi32>], vector<16xf32>,
    %mul3A_412 = arith.mulf %gather3A_411, %gather3A_24 : vector<16xf32>
    %add3A_413 = arith.addf %add3A_408, %mul3A_412 : vector<16xf32>
    %broadcast_in_dim3A_414 = arith.constant 7 : i32
    %broadcast_in_dim3A_415 = vector.broadcast %broadcast_in_dim3A_414 : i32 to vector<16xi32>
    %gather3A_416 = tpu.vector_load_idx %arg8[%min3A_379, %broadcast_in_dim3A_415] : memref<100x10xf32, #tpu.memory_space<vmem>>[vector<16xi32>, vector<16xi32>], vector<16xf32>,
    %mul3A_417 = arith.mulf %gather3A_416, %gather3A_27 : vector<16xf32>
    %add3A_418 = arith.addf %add3A_413, %mul3A_417 : vector<16xf32>
    %broadcast_in_dim3A_419 = arith.constant 8 : i32
    %broadcast_in_dim3A_420 = vector.broadcast %broadcast_in_dim3A_419 : i32 to vector<16xi32>
    %gather3A_421 = tpu.vector_load_idx %arg8[%min3A_379, %broadcast_in_dim3A_420] : memref<100x10xf32, #tpu.memory_space<vmem>>[vector<16xi32>, vector<16xi32>], vector<16xf32>,
    %mul3A_422 = arith.mulf %gather3A_421, %gather3A_30 : vector<16xf32>
    %add3A_423 = arith.addf %add3A_418, %mul3A_422 : vector<16xf32>
    %broadcast_in_dim3A_424 = arith.constant 9 : i32
    %broadcast_in_dim3A_425 = vector.broadcast %broadcast_in_dim3A_424 : i32 to vector<16xi32>
    %gather3A_426 = tpu.vector_load_idx %arg8[%min3A_379, %broadcast_in_dim3A_425] : memref<100x10xf32, #tpu.memory_space<vmem>>[vector<16xi32>, vector<16xi32>], vector<16xf32>,
    %mul3A_427 = arith.mulf %gather3A_426, %gather3A_33 : vector<16xf32>
    %add3A_428 = arith.addf %add3A_423, %mul3A_427 : vector<16xf32>
    %swap3A_429 = arith.constant 96 : index
    %swap3A_430 = tpu.vector_load %arg11[%swap3A_429] {strides = array<i32>} : memref<112xf32, #tpu.memory_space<vmem>>, vector<16xf32>,
    tpu.vector_store %arg11[%swap3A_429], %add3A_428 {strides = array<i32>} : memref<112xf32, #tpu.memory_space<vmem>>, vector<16xf32>,
    %dma_wait3A = tpu.memref_slice %arg2[%mul3A_4] : memref<819200xi32, #tpu.memory_space<hbm>> -> memref<25600xi32, #tpu.memory_space<hbm>>
    %dma_wait3A_431 = tpu.memref_slice %arg2[%mul3A_4] : memref<819200xi32, #tpu.memory_space<hbm>> -> memref<25600xi32, #tpu.memory_space<hbm>>
    tpu.wait_dma2 semaphore(%arg13 : memref<!tpu.dma_semaphore, #tpu.memory_space<semaphore_mem>>) src(%dma_wait3A_431 : memref<25600xi32, #tpu.memory_space<hbm>>) dst(%arg7 : memref<25600xi32, #tpu.memory_space<vmem>>)
    %get3A = arith.constant 0 : index
    %get3A_432 = tpu.vector_load %arg10[%get3A] {strides = array<i32>} : memref<16xf32, #tpu.memory_space<vmem>>, vector<16xf32>,
    %broadcast_in_dim3A_433 = arith.constant 0.000000e+00 : f32
    %broadcast_in_dim3A_434 = vector.broadcast %broadcast_in_dim3A_433 : f32 to vector<16xf32>
    %mul3A_435 = arith.constant 50 : i32
    %mul3A_436 = vector.broadcast %mul3A_435 : i32 to vector<16xi32>
    %mul3A_437 = arith.muli %iota3A, %mul3A_436 : vector<16xi32>
    %scan3A = arith.constant 255 : i32
    %scan3A_438 = arith.constant 5.000000e-03 : f32
    %scan3A_439 = arith.constant 0 : i32
    %scan3A_440 = arith.constant 0 : i32
    %scan3A_441 = arith.constant 32 : i32
    %scan3A_442 = arith.addi %scan3A_440, %scan3A_441 : i32
    %scan3A_443 = arith.constant 1 : i32
    %scan3A_444 = scf.for %scan3A_446 = %scan3A_440 to %scan3A_442 step %scan3A_443 iter_args(%scan3A_447 = %scan3A_439) -> (i32)  : i32 {
      %mul3A_448 = arith.constant 800 : i32
      %mul3A_449 = arith.muli %scan3A_446, %mul3A_448 : i32
      %add3A_450 = vector.broadcast %mul3A_449 : i32 to vector<16xi32>
      %add3A_451 = arith.addi %add3A_450, %mul3A_437 : vector<16xi32>
      %scan3A_452 = arith.constant 0 : i32
      %scan3A_453 = arith.constant 10 : i32
      %scan3A_454 = arith.addi %scan3A_452, %scan3A_453 : i32
      %scan3A_455 = arith.constant 1 : i32
      %scan3A_456:2 = scf.for %scan3A_474 = %scan3A_452 to %scan3A_454 step %scan3A_455 iter_args(%scan3A_475 = %broadcast_in_dim3A_434, %scan3A_476 = %broadcast_in_dim3A_434) -> (vector<16xf32>, vector<16xf32>)  : i32 {
        %mul3A_477 = arith.constant 5 : i32
        %mul3A_478 = arith.muli %scan3A_474, %mul3A_477 : i32
        %add3A_479 = arith.constant 0 : i32
        %add3A_480 = arith.addi %mul3A_478, %add3A_479 : i32
        %add3A_481 = vector.broadcast %add3A_480 : i32 to vector<16xi32>
        %add3A_482 = arith.addi %add3A_451, %add3A_481 : vector<16xi32>
        %gather3A_483 = tpu.vector_load_idx %arg7[%add3A_482] : memref<25600xi32, #tpu.memory_space<vmem>>[vector<16xi32>], vector<16xi32>,
        %and3A = vector.broadcast %scan3A : i32 to vector<16xi32>
        %and3A_484 = arith.andi %gather3A_483, %and3A : vector<16xi32>
        %shift_right_logical3A = arith.constant 8 : i32
        %shift_right_logical3A_485 = vector.broadcast %shift_right_logical3A : i32 to vector<16xi32>
        %shift_right_logical3A_486 = arith.shrui %gather3A_483, %shift_right_logical3A_485 : vector<16xi32>
        %and3A_487 = vector.broadcast %scan3A : i32 to vector<16xi32>
        %and3A_488 = arith.andi %shift_right_logical3A_486, %and3A_487 : vector<16xi32>
        %shift_right_logical3A_489 = arith.constant 16 : i32
        %shift_right_logical3A_490 = vector.broadcast %shift_right_logical3A_489 : i32 to vector<16xi32>
        %shift_right_logical3A_491 = arith.shrui %gather3A_483, %shift_right_logical3A_490 : vector<16xi32>
        %and3A_492 = vector.broadcast %scan3A : i32 to vector<16xi32>
        %and3A_493 = arith.andi %shift_right_logical3A_491, %and3A_492 : vector<16xi32>
        %shift_right_logical3A_494 = arith.constant 24 : i32
        %shift_right_logical3A_495 = vector.broadcast %shift_right_logical3A_494 : i32 to vector<16xi32>
        %shift_right_logical3A_496 = arith.shrui %gather3A_483, %shift_right_logical3A_495 : vector<16xi32>
        %gather3A_497 = tpu.vector_load_idx %arg11[%and3A_484] : memref<112xf32, #tpu.memory_space<vmem>>[vector<16xi32>], vector<16xf32>,
        %add3A_498 = arith.addf %scan3A_475, %gather3A_497 : vector<16xf32>
        %gather3A_499 = tpu.vector_load_idx %arg11[%and3A_488] : memref<112xf32, #tpu.memory_space<vmem>>[vector<16xi32>], vector<16xf32>,
        %add3A_500 = arith.addf %scan3A_476, %gather3A_499 : vector<16xf32>
        %gather3A_501 = tpu.vector_load_idx %arg11[%and3A_493] : memref<112xf32, #tpu.memory_space<vmem>>[vector<16xi32>], vector<16xf32>,
        %add3A_502 = arith.addf %add3A_498, %gather3A_501 : vector<16xf32>
        %gather3A_503 = tpu.vector_load_idx %arg11[%shift_right_logical3A_496] : memref<112xf32, #tpu.memory_space<vmem>>[vector<16xi32>], vector<16xf32>,
        %add3A_504 = arith.addf %add3A_500, %gather3A_503 : vector<16xf32>
        %mul3A_505 = arith.constant 5 : i32
        %mul3A_506 = arith.muli %scan3A_474, %mul3A_505 : i32
        %add3A_507 = arith.constant 1 : i32
        %add3A_508 = arith.addi %mul3A_506, %add3A_507 : i32
        %add3A_509 = vector.broadcast %add3A_508 : i32 to vector<16xi32>
        %add3A_510 = arith.addi %add3A_451, %add3A_509 : vector<16xi32>
        %gather3A_511 = tpu.vector_load_idx %arg7[%add3A_510] : memref<25600xi32, #tpu.memory_space<vmem>>[vector<16xi32>], vector<16xi32>,
        %and3A_512 = vector.broadcast %scan3A : i32 to vector<16xi32>
        %and3A_513 = arith.andi %gather3A_511, %and3A_512 : vector<16xi32>
        %shift_right_logical3A_514 = arith.constant 8 : i32
        %shift_right_logical3A_515 = vector.broadcast %shift_right_logical3A_514 : i32 to vector<16xi32>
        %shift_right_logical3A_516 = arith.shrui %gather3A_511, %shift_right_logical3A_515 : vector<16xi32>
        %and3A_517 = vector.broadcast %scan3A : i32 to vector<16xi32>
        %and3A_518 = arith.andi %shift_right_logical3A_516, %and3A_517 : vector<16xi32>
        %shift_right_logical3A_519 = arith.constant 16 : i32
        %shift_right_logical3A_520 = vector.broadcast %shift_right_logical3A_519 : i32 to vector<16xi32>
        %shift_right_logical3A_521 = arith.shrui %gather3A_511, %shift_right_logical3A_520 : vector<16xi32>
        %and3A_522 = vector.broadcast %scan3A : i32 to vector<16xi32>
        %and3A_523 = arith.andi %shift_right_logical3A_521, %and3A_522 : vector<16xi32>
        %shift_right_logical3A_524 = arith.constant 24 : i32
        %shift_right_logical3A_525 = vector.broadcast %shift_right_logical3A_524 : i32 to vector<16xi32>
        %shift_right_logical3A_526 = arith.shrui %gather3A_511, %shift_right_logical3A_525 : vector<16xi32>
        %gather3A_527 = tpu.vector_load_idx %arg11[%and3A_513] : memref<112xf32, #tpu.memory_space<vmem>>[vector<16xi32>], vector<16xf32>,
        %add3A_528 = arith.addf %add3A_502, %gather3A_527 : vector<16xf32>
        %gather3A_529 = tpu.vector_load_idx %arg11[%and3A_518] : memref<112xf32, #tpu.memory_space<vmem>>[vector<16xi32>], vector<16xf32>,
        %add3A_530 = arith.addf %add3A_504, %gather3A_529 : vector<16xf32>
        %gather3A_531 = tpu.vector_load_idx %arg11[%and3A_523] : memref<112xf32, #tpu.memory_space<vmem>>[vector<16xi32>], vector<16xf32>,
        %add3A_532 = arith.addf %add3A_528, %gather3A_531 : vector<16xf32>
        %gather3A_533 = tpu.vector_load_idx %arg11[%shift_right_logical3A_526] : memref<112xf32, #tpu.memory_space<vmem>>[vector<16xi32>], vector<16xf32>,
        %add3A_534 = arith.addf %add3A_530, %gather3A_533 : vector<16xf32>
        %mul3A_535 = arith.constant 5 : i32
        %mul3A_536 = arith.muli %scan3A_474, %mul3A_535 : i32
        %add3A_537 = arith.constant 2 : i32
        %add3A_538 = arith.addi %mul3A_536, %add3A_537 : i32
        %add3A_539 = vector.broadcast %add3A_538 : i32 to vector<16xi32>
        %add3A_540 = arith.addi %add3A_451, %add3A_539 : vector<16xi32>
        %gather3A_541 = tpu.vector_load_idx %arg7[%add3A_540] : memref<25600xi32, #tpu.memory_space<vmem>>[vector<16xi32>], vector<16xi32>,
        %and3A_542 = vector.broadcast %scan3A : i32 to vector<16xi32>
        %and3A_543 = arith.andi %gather3A_541, %and3A_542 : vector<16xi32>
        %shift_right_logical3A_544 = arith.constant 8 : i32
        %shift_right_logical3A_545 = vector.broadcast %shift_right_logical3A_544 : i32 to vector<16xi32>
        %shift_right_logical3A_546 = arith.shrui %gather3A_541, %shift_right_logical3A_545 : vector<16xi32>
        %and3A_547 = vector.broadcast %scan3A : i32 to vector<16xi32>
        %and3A_548 = arith.andi %shift_right_logical3A_546, %and3A_547 : vector<16xi32>
        %shift_right_logical3A_549 = arith.constant 16 : i32
        %shift_right_logical3A_550 = vector.broadcast %shift_right_logical3A_549 : i32 to vector<16xi32>
        %shift_right_logical3A_551 = arith.shrui %gather3A_541, %shift_right_logical3A_550 : vector<16xi32>
        %and3A_552 = vector.broadcast %scan3A : i32 to vector<16xi32>
        %and3A_553 = arith.andi %shift_right_logical3A_551, %and3A_552 : vector<16xi32>
        %shift_right_logical3A_554 = arith.constant 24 : i32
        %shift_right_logical3A_555 = vector.broadcast %shift_right_logical3A_554 : i32 to vector<16xi32>
        %shift_right_logical3A_556 = arith.shrui %gather3A_541, %shift_right_logical3A_555 : vector<16xi32>
        %gather3A_557 = tpu.vector_load_idx %arg11[%and3A_543] : memref<112xf32, #tpu.memory_space<vmem>>[vector<16xi32>], vector<16xf32>,
        %add3A_558 = arith.addf %add3A_532, %gather3A_557 : vector<16xf32>
        %gather3A_559 = tpu.vector_load_idx %arg11[%and3A_548] : memref<112xf32, #tpu.memory_space<vmem>>[vector<16xi32>], vector<16xf32>,
        %add3A_560 = arith.addf %add3A_534, %gather3A_559 : vector<16xf32>
        %gather3A_561 = tpu.vector_load_idx %arg11[%and3A_553] : memref<112xf32, #tpu.memory_space<vmem>>[vector<16xi32>], vector<16xf32>,
        %add3A_562 = arith.addf %add3A_558, %gather3A_561 : vector<16xf32>
        %gather3A_563 = tpu.vector_load_idx %arg11[%shift_right_logical3A_556] : memref<112xf32, #tpu.memory_space<vmem>>[vector<16xi32>], vector<16xf32>,
        %add3A_564 = arith.addf %add3A_560, %gather3A_563 : vector<16xf32>
        %mul3A_565 = arith.constant 5 : i32
        %mul3A_566 = arith.muli %scan3A_474, %mul3A_565 : i32
        %add3A_567 = arith.constant 3 : i32
        %add3A_568 = arith.addi %mul3A_566, %add3A_567 : i32
        %add3A_569 = vector.broadcast %add3A_568 : i32 to vector<16xi32>
        %add3A_570 = arith.addi %add3A_451, %add3A_569 : vector<16xi32>
        %gather3A_571 = tpu.vector_load_idx %arg7[%add3A_570] : memref<25600xi32, #tpu.memory_space<vmem>>[vector<16xi32>], vector<16xi32>,
        %and3A_572 = vector.broadcast %scan3A : i32 to vector<16xi32>
        %and3A_573 = arith.andi %gather3A_571, %and3A_572 : vector<16xi32>
        %shift_right_logical3A_574 = arith.constant 8 : i32
        %shift_right_logical3A_575 = vector.broadcast %shift_right_logical3A_574 : i32 to vector<16xi32>
        %shift_right_logical3A_576 = arith.shrui %gather3A_571, %shift_right_logical3A_575 : vector<16xi32>
        %and3A_577 = vector.broadcast %scan3A : i32 to vector<16xi32>
        %and3A_578 = arith.andi %shift_right_logical3A_576, %and3A_577 : vector<16xi32>
        %shift_right_logical3A_579 = arith.constant 16 : i32
        %shift_right_logical3A_580 = vector.broadcast %shift_right_logical3A_579 : i32 to vector<16xi32>
        %shift_right_logical3A_581 = arith.shrui %gather3A_571, %shift_right_logical3A_580 : vector<16xi32>
        %and3A_582 = vector.broadcast %scan3A : i32 to vector<16xi32>
        %and3A_583 = arith.andi %shift_right_logical3A_581, %and3A_582 : vector<16xi32>
        %shift_right_logical3A_584 = arith.constant 24 : i32
        %shift_right_logical3A_585 = vector.broadcast %shift_right_logical3A_584 : i32 to vector<16xi32>
        %shift_right_logical3A_586 = arith.shrui %gather3A_571, %shift_right_logical3A_585 : vector<16xi32>
        %gather3A_587 = tpu.vector_load_idx %arg11[%and3A_573] : memref<112xf32, #tpu.memory_space<vmem>>[vector<16xi32>], vector<16xf32>,
        %add3A_588 = arith.addf %add3A_562, %gather3A_587 : vector<16xf32>
        %gather3A_589 = tpu.vector_load_idx %arg11[%and3A_578] : memref<112xf32, #tpu.memory_space<vmem>>[vector<16xi32>], vector<16xf32>,
        %add3A_590 = arith.addf %add3A_564, %gather3A_589 : vector<16xf32>
        %gather3A_591 = tpu.vector_load_idx %arg11[%and3A_583] : memref<112xf32, #tpu.memory_space<vmem>>[vector<16xi32>], vector<16xf32>,
        %add3A_592 = arith.addf %add3A_588, %gather3A_591 : vector<16xf32>
        %gather3A_593 = tpu.vector_load_idx %arg11[%shift_right_logical3A_586] : memref<112xf32, #tpu.memory_space<vmem>>[vector<16xi32>], vector<16xf32>,
        %add3A_594 = arith.addf %add3A_590, %gather3A_593 : vector<16xf32>
        %mul3A_595 = arith.constant 5 : i32
        %mul3A_596 = arith.muli %scan3A_474, %mul3A_595 : i32
        %add3A_597 = arith.constant 4 : i32
        %add3A_598 = arith.addi %mul3A_596, %add3A_597 : i32
        %add3A_599 = vector.broadcast %add3A_598 : i32 to vector<16xi32>
        %add3A_600 = arith.addi %add3A_451, %add3A_599 : vector<16xi32>
        %gather3A_601 = tpu.vector_load_idx %arg7[%add3A_600] : memref<25600xi32, #tpu.memory_space<vmem>>[vector<16xi32>], vector<16xi32>,
        %and3A_602 = vector.broadcast %scan3A : i32 to vector<16xi32>
        %and3A_603 = arith.andi %gather3A_601, %and3A_602 : vector<16xi32>
        %shift_right_logical3A_604 = arith.constant 8 : i32
        %shift_right_logical3A_605 = vector.broadcast %shift_right_logical3A_604 : i32 to vector<16xi32>
        %shift_right_logical3A_606 = arith.shrui %gather3A_601, %shift_right_logical3A_605 : vector<16xi32>
        %and3A_607 = vector.broadcast %scan3A : i32 to vector<16xi32>
        %and3A_608 = arith.andi %shift_right_logical3A_606, %and3A_607 : vector<16xi32>
        %shift_right_logical3A_609 = arith.constant 16 : i32
        %shift_right_logical3A_610 = vector.broadcast %shift_right_logical3A_609 : i32 to vector<16xi32>
        %shift_right_logical3A_611 = arith.shrui %gather3A_601, %shift_right_logical3A_610 : vector<16xi32>
        %and3A_612 = vector.broadcast %scan3A : i32 to vector<16xi32>
        %and3A_613 = arith.andi %shift_right_logical3A_611, %and3A_612 : vector<16xi32>
        %shift_right_logical3A_614 = arith.constant 24 : i32
        %shift_right_logical3A_615 = vector.broadcast %shift_right_logical3A_614 : i32 to vector<16xi32>
        %shift_right_logical3A_616 = arith.shrui %gather3A_601, %shift_right_logical3A_615 : vector<16xi32>
        %gather3A_617 = tpu.vector_load_idx %arg11[%and3A_603] : memref<112xf32, #tpu.memory_space<vmem>>[vector<16xi32>], vector<16xf32>,
        %add3A_618 = arith.addf %add3A_592, %gather3A_617 : vector<16xf32>
        %gather3A_619 = tpu.vector_load_idx %arg11[%and3A_608] : memref<112xf32, #tpu.memory_space<vmem>>[vector<16xi32>], vector<16xf32>,
        %add3A_620 = arith.addf %add3A_594, %gather3A_619 : vector<16xf32>
        %gather3A_621 = tpu.vector_load_idx %arg11[%and3A_613] : memref<112xf32, #tpu.memory_space<vmem>>[vector<16xi32>], vector<16xf32>,
        %add3A_622 = arith.addf %add3A_618, %gather3A_621 : vector<16xf32>
        %gather3A_623 = tpu.vector_load_idx %arg11[%shift_right_logical3A_616] : memref<112xf32, #tpu.memory_space<vmem>>[vector<16xi32>], vector<16xf32>,
        %add3A_624 = arith.addf %add3A_620, %gather3A_623 : vector<16xf32>
        scf.yield %add3A_622, %add3A_624 : vector<16xf32>, vector<16xf32>
      }
      %scan3A_457 = arith.constant 10 : i32
      %add3A_458 = arith.addf %scan3A_456#0, %scan3A_456#1 : vector<16xf32>
      %mul3A_459 = vector.broadcast %scan3A_438 : f32 to vector<16xf32>
      %mul3A_460 = arith.mulf %add3A_458, %mul3A_459 : vector<16xf32>
      %add3A_461 = arith.addf %mul3A_460, %get3A_432 : vector<16xf32>
      %neg3A = arith.constant 0.000000e+00 : f32
      %neg3A_462 = vector.broadcast %neg3A : f32 to vector<16xf32>
      %neg3A_463 = arith.subf %neg3A_462, %add3A_461 : vector<16xf32>
      %exp3A = math.exp %neg3A_463 : vector<16xf32>
      %add3A_464 = arith.constant 1.000000e+00 : f32
      %add3A_465 = vector.broadcast %add3A_464 : f32 to vector<16xf32>
      %add3A_466 = arith.addf %add3A_465, %exp3A : vector<16xf32>
      %div3A = arith.constant 1.000000e+00 : f32
      %div3A_467 = vector.broadcast %div3A : f32 to vector<16xf32>
      %div3A_468 = arith.divf %div3A_467, %add3A_466 : vector<16xf32>
      %mul3A_469 = arith.constant 16 : i32
      %mul3A_470 = arith.muli %scan3A_446, %mul3A_469 : i32
      %swap3A_471 = arith.index_cast %mul3A_470 : i32 to index
      %swap3A_472 = tpu.vector_load %arg12[%swap3A_471] {strides = array<i32>} : memref<512xf32, #tpu.memory_space<vmem>>, vector<16xf32>,
      tpu.vector_store %arg12[%swap3A_471], %div3A_468 {strides = array<i32>} : memref<512xf32, #tpu.memory_space<vmem>>, vector<16xf32>,
      %scan3A_473 = arith.constant 0 : i32
      scf.yield %scan3A_473 : i32
    }
    %scan3A_445 = arith.constant 32 : i32
    "tpu.region"() ({
      %run_scoped3A = tpu.sem_alloc : memref<!tpu.dma_semaphore, #tpu.memory_space<semaphore_mem>>
      %dma_start3A_446 = tpu.memref_slice %arg6[%mul3A_2] : memref<16384xf32, #tpu.memory_space<hbm>> -> memref<512xf32, #tpu.memory_space<hbm>>
      %dma_start3A_447 = tpu.memref_slice %arg6[%mul3A_2] : memref<16384xf32, #tpu.memory_space<hbm>> -> memref<512xf32, #tpu.memory_space<hbm>>
      tpu.enqueue_dma source(%arg12 : memref<512xf32, #tpu.memory_space<vmem>>) target(%dma_start3A_447 : memref<512xf32, #tpu.memory_space<hbm>>) target_semaphore(%run_scoped3A : memref<!tpu.dma_semaphore, #tpu.memory_space<semaphore_mem>>)
      %dma_wait3A_448 = tpu.memref_slice %arg6[%mul3A_2] : memref<16384xf32, #tpu.memory_space<hbm>> -> memref<512xf32, #tpu.memory_space<hbm>>
      %dma_wait3A_449 = tpu.memref_slice %arg6[%mul3A_2] : memref<16384xf32, #tpu.memory_space<hbm>> -> memref<512xf32, #tpu.memory_space<hbm>>
      tpu.wait_dma2 semaphore(%run_scoped3A : memref<!tpu.dma_semaphore, #tpu.memory_space<semaphore_mem>>) src(%arg12 : memref<512xf32, #tpu.memory_space<vmem>>) dst(%dma_wait3A_449 : memref<512xf32, #tpu.memory_space<hbm>>)
      tpu.yield
    }) : () -> ()
    return
  }
}

</mosaic_0001>

<sc_bundles>
// kernel: kernel.3.cloned.1.call-start
scs
__scs_entry_jumppad:
0x0: {  	(pc) =	sbr.rel $0x88, $3  }
0x1: {  	(tag) =	ssettag $0x0;
	lr =	simm.s32 $0x1  }
0x2: {  	[smem:$0x3F9D] =	sst lr;
	_ =	strace $0xD0000000  }
0x3: {  	_ = 	snop  }
0x4: {  	_ = 	snop  }
0x5: {  	_ = 	snop  }
0x6: {  	_ = 	snop  }
0x7: {  	_ = 	snop  }
__scs_overlays_trampoline_lowered:
0x8: {  	[smem:$0x3FAC] =	sst s0  }
0x9: {  	[smem:$0x3FAD] =	sst s1  }
0xa: {  	[smem:$0x3FAE] =	sst s2  }
0xb: {  	[smem:$0x3FAF] =	sst s3  }
0xc: {  	[smem:$0x3FB0] =	sst s4  }
0xd: {  	[smem:$0x3FB1] =	sst s5  }
0xe: {  	[smem:$0x3FB2] =	sst s6  }
0xf: {  	[smem:$0x3FB3] =	sst s7  }
0x10: {  	[smem:$0x3FB4] =	sst s8  }
0x11: {  	[smem:$0x3FB5] =	sst s9;
	s0 =	simm.s32 @!p0 $0x0  }
0x12: {  	s1 =	sld [smem:$0x3F9B];
	s0 =	simm.s32 @p0 $0x1  }
0x13: {  	[smem:$0x3FB6] =	sst s0;
	s0 =	simm.s32 @!p1 $0x0  }
0x14: {  	s2 =	sld [smem:$0x3F9A];
	s0 =	simm.s32 @p1 $0x1  }
0x15: {  	[smem:$0x3FB7] =	sst s0;
	s0 =	simm.s32 @!p2 $0x0  }
0x16: {  	s3 =	sld [smem:$0x3FDB];
	s0 =	simm.s32 @p2 $0x1  }
0x17: {  	s4 =	simm.s32 $0x1BF5;
	[smem:$0x3FB9] =	sst s0  }
0x18: {  	s0 =	sld [smem:$0x3F9C];
	_ =	swait.ge [sflag:s4], $0x0  }
0x19: {  	s7 =	sld [smem:$0x3F9D]  }
0x1a: {  	s8 =	sadd.s32 $0xFFFFE003, lr  }
0x1b: {  	s9 =	sadd.s32 $0xFFFFFEF7, lr;
	s5 =	simm.s32 $0xFFFFFFFF;
	p2 =	slt.u32 s8, $0xFFFFF086  }
0x1c: {  	p1 =	slt.u32 s9, $0xF7A;
	s5 =	simm.s32 @!p2 $0x0  }
0x1d: {  	s5 =	simm.s32 @p1 $0x1;
	p0 =	seq.s32 s7, s2  }
0x1e: {  	s7 =	smul.u32 @!p0 $0xF7A, s2;
	p2 =	seq.s32 @!p0 s5, $0x0  }
0x1f: {  	s9 =	smul.u32 $0xF7A, s1;
	s8 =	simm.s32 @!p0 $0x1BF5;
	p2 =	por !p2, p0  }
0x20: {  	[sflag:s8] =	ssyncset.s32 @!p0 $0xFFFFF086;
	s6 =	sadd.s32 @!p0 s3, s7;
	s7 =	simm.s32 @!p0 $0x108  }
0x21: {  	s3 =	sadd.s32 s3, s9;
	s6 =	sadd.s32 @!p0 $0x88, s6;
	s7 =	simm.s32 @p2 $0x1082  }
0x22: {  	[simem:s7], [sflag:s8] =	dma.local @!p0 [hbm:s6], $0xF7A  }
0x23: {  	s9 =	sor.u32 $0xD0000000, s2;
	s6 =	simm.s32 $0x108;
	_ =	swait.ge @!p0 [sflag:s8], $0x0  }
0x24: {  	s3 =	sadd.s32 $0x88, s3;
	s6 =	simm.s32 @!p1 $0x1082;
	[sflag:s4] =	ssyncset.s32 $0xFFFFF086  }
0x25: {  	[simem:s6], [sflag:s4] =	dma.local [hbm:s3], $0xF7A  }
0x26: {  	[smem:$0x3F9D] =	sst s1;
	(tag) =	ssettag s2;
	_ =	strace s9  }
0x27: {  	s1 =	sld [smem:$0x3FAD]  }
0x28: {  	s2 =	sld [smem:$0x3FAE]  }
0x29: {  	s4 =	sld [smem:$0x3FB0]  }
0x2a: {  	p0 =	seq.s32 s5, $0x0;
	s5 =	sld [smem:$0x3FB1]  }
0x2b: {  	s6 =	sld [smem:$0x3FB2]  }
0x2c: {  	s7 =	sld [smem:$0x3FB3]  }
0x2d: {  	s3 =	simm.s32 $0x108;
	s8 =	sld [smem:$0x3FB4]  }
0x2e: {  	s3 =	simm.s32 @!p0 $0x1082;
	s9 =	sld [smem:$0x3FB5]  }
0x2f: {  	lr =	sadd.s32 s0, s3;
	s0 =	sld [smem:$0x3FAC]  }
0x30: {  	s3 =	sld [smem:$0x3FAF]  }
0x31: {  	[smem:$0x3FB8] =	sst s10  }
0x32: {  	s10 =	sld [smem:$0x3FB6];
	_ =	sdelay $0x3  }
0x33: {  	p0 =	seq.s32 s10, $0x1;
	s10 =	sld [smem:$0x3FB8];
	_ =	sdelay $0x3  }
0x34: {  	[smem:$0x3FB8] =	sst s10  }
0x35: {  	s10 =	sld [smem:$0x3FB7];
	_ =	sdelay $0x3  }
0x36: {  	p1 =	seq.s32 s10, $0x1;
	s10 =	sld [smem:$0x3FB8];
	_ =	sdelay $0x3  }
0x37: {  	[smem:$0x3FB8] =	sst s10  }
0x38: {  	s10 =	sld [smem:$0x3FB9]  }
0x39: {  	_ = 	snop;
	(pc) =	sbr.ind lr, $3  }
0x3a: {  	_ = 	snop  }
0x3b: {  	_ = 	snop  }
0x3c: {  	p2 =	seq.s32 s10, $0x1;
	s10 =	sld [smem:$0x3FB8]  }
0x3d: {  	_ =	shalt  }
0x3e: {  	_ =	shalt  }
0x3f: {  	_ =	shalt  }
0x40: {  	_ =	shalt  }
0x41: {  	_ =	shalt  }
0x42: {  	_ =	shalt  }
0x43: {  	_ =	shalt  }
0x44: {  	_ =	shalt  }
0x45: {  	_ =	shalt  }
0x46: {  	_ =	shalt  }
0x47: {  	_ =	shalt  }
0x48: {  	_ =	shalt  }
0x49: {  	_ =	shalt  }
0x4a: {  	_ =	shalt  }
0x4b: {  	_ =	shalt  }
0x4c: {  	_ =	shalt  }
0x4d: {  	_ =	shalt  }
0x4e: {  	_ =	shalt  }
0x4f: {  	_ =	shalt  }
0x50: {  	_ =	shalt  }
0x51: {  	_ =	shalt  }
0x52: {  	_ =	shalt  }
0x53: {  	_ =	shalt  }
0x54: {  	_ =	shalt  }
0x55: {  	_ =	shalt  }
0x56: {  	_ =	shalt  }
0x57: {  	_ =	shalt  }
0x58: {  	_ =	shalt  }
0x59: {  	_ =	shalt  }
0x5a: {  	_ =	shalt  }
0x5b: {  	_ =	shalt  }
0x5c: {  	_ =	shalt  }
0x5d: {  	_ =	shalt  }
0x5e: {  	_ =	shalt  }
0x5f: {  	_ =	shalt  }
0x60: {  	_ =	shalt  }
0x61: {  	_ =	shalt  }
0x62: {  	_ =	shalt  }
0x63: {  	_ =	shalt  }
0x64: {  	_ =	shalt  }
0x65: {  	_ =	shalt  }
0x66: {  	_ =	shalt  }
0x67: {  	_ =	shalt  }
0x68: {  	_ =	shalt  }
0x69: {  	_ =	shalt  }
0x6a: {  	_ =	shalt  }
0x6b: {  	_ =	shalt  }
0x6c: {  	_ =	shalt  }
0x6d: {  	_ =	shalt  }
0x6e: {  	_ =	shalt  }
0x6f: {  	_ =	shalt  }
0x70: {  	_ =	shalt  }
0x71: {  	_ =	shalt  }
0x72: {  	_ =	shalt  }
0x73: {  	_ =	shalt  }
0x74: {  	_ =	shalt  }
0x75: {  	_ =	shalt  }
0x76: {  	_ =	shalt  }
0x77: {  	_ =	shalt  }
0x78: {  	_ =	shalt  }
0x79: {  	_ =	shalt  }
0x7a: {  	_ =	shalt  }
0x7b: {  	_ =	shalt  }
0x7c: {  	_ =	shalt  }
0x7d: {  	_ =	shalt  }
0x7e: {  	_ =	shalt  }
0x7f: {  	_ =	shalt  }
0x80: {  	_ =	shalt  }
0x81: {  	_ =	shalt  }
0x82: {  	_ =	shalt  }
0x83: {  	_ =	shalt  }
0x84: {  	_ =	shalt  }
0x85: {  	_ =	shalt  }
0x86: {  	_ =	shalt  }
0x87: {  	_ =	shalt  }
.Lfunc_end0:
.L_simem_size_0:
called_computation_lowered:
.L_overlay_start_0:
0x88: {  	s2 =	sld [smem:$0x3FD9]  }
0x89: {  	s3 =	sld [smem:$0x3FFE];
	_ =	sdelay $0x1  }
0x8a: {  	s1 =	srdreg.scid  }
0x8b: {  	s0 =	sand.u32 $0x1, s1  }
0x8c: {  	s17 =	sshll.u32 s0, $0xA;
	s2 =	sadd.s32 s3, s2  }
0x8d: {  	s2 =	sadd.s32 s2, s17  }
0x8e: {  	[smem:$0x3FC4] =	sst s2  }
0x8f: {  	_ = 	snop  }
0x90: {  	s2 =	sld [smem:$0x3FD0];
	(tm) =	ssettm $0x1  }
0x91: {  	s18 =	sld [smem:$0x3FFB];
	_ =	sdelay $0x3  }
0x92: {  	_ =	strace s18  }
0x93: {  	s3 =	sld [smem:$0x3FFC];
	_ =	sdelay $0x3  }
0x94: {  	_ =	strace s3  }
0x95: {  	s3 =	sld [smem:$0x3FFD];
	_ =	sdelay $0x3  }
0x96: {  	_ =	strace s3  }
0x97: {  	_ =	strace $0x8FFFFFFF  }
0x98: {  	s19 =	sld [smem:$0x3FDB];
	_ =	sdelay $0x1  }
0x99: {  	s4 =	simm.s32 $_scs_section_size  }
0x9a: {  	s5 =	simm.s32 $_size__tile_overlayer_lowered;
	s6 =	simm.s32 $_tile_overlayer_lowered  }
0x9b: {  	s22 =	simm.s32 $0x1BFF;
	s21 =	sshll.u32 s6, $0x1;
	s3 =	sadd.s32 s4, s19  }
0x9c: {  	s7 =	simm.s32 $0x0;
	s20 =	sshll.u32 s5, $0x1;
	s5 =	sadd.s32 s21, s3  }
0x9d: {  	[timem:s7], [sflag:s22] =	dma.local [hbm:s5], s20  }
0x9e: {  	_ =	swait.ge [sflag:s22], s20  }
0x9f: {  	s4 =	ssub.s32 $0x0, s20;
	[sflag:s22] =	ssyncset.done $0x0  }
0xa0: {  	[sflag:s22] =	ssyncadd.s32 s4;
	_ =	sdelay $0x1  }
0xa1: {  	s23 =	simm.s32 $0x1B8B  }
0xa2: {  	_ =	swait.ge [sflag:s23], $0x1  }
0xa3: {  	[sflag:s23] =	ssyncset.done $0x0  }
0xa4: {  	s25 =	simm.s32 $0x1B8E;
	s24 =	sld [smem:$0x3FFE];
	[sflag:s23] =	ssyncadd.s32 $0xFFFFFFFF  }
0xa5: {  	s26 =	simm.s32 $execute0_lowered;
	[smem:$0x3FD2] =	sst s25  }
0xa6: {  	s5 =	sshll.u32 s26, $0x1;
	_ =	strace $0x80000046;
	[dreg:$0x1] =	wrdreg $0xFFFFFFFF  }
0xa7: {  	s28 =	simm.s32 $_size_execute0_lowered;
	s3 =	sadd.s32 s3, s5;
	[dreg:$0x0] =	wrdreg $0x0  }
0xa8: {  	s5 =	sshll.u32 s28, $0x1;
	[dreg:$0x2] =	wrdreg s3  }
0xa9: {  	[dreg:$0x3] =	wrdreg s5  }
0xaa: {  	[dreg:$0x4] =	wrdreg $0xC0  }
0xab: {  	_ =	task [dreg:s7], $0x5FFFF  }
0xac: {  	[dreg:$0x1] =	wrdreg $0xFFFFFFFF  }
0xad: {  	[dreg:$0x0] =	wrdreg $0x60  }
0xae: {  	[dreg:$0x2] =	wrdreg s24  }
0xaf: {  	[dreg:$0x3] =	wrdreg s2  }
0xb0: {  	[dreg:$0x4] =	wrdreg $0x9  }
0xb1: {  	_ =	task.clear_ibuf [dreg:s7], $0x5FFFF;
	_ =	strace $0x90000046  }
0xb2: {  	s29 =	simm.s32 $0x9;
	_ =	strace $0x80000048  }
0xb3: {  	_ =	swait.ge [sflag:s29], $0x1  }
0xb4: {  	[sflag:s29] =	ssyncadd.s32 $0xFFFFFFFF  }
0xb5: {  	_ =	strace $0x90000048  }
0xb6: {  	_ =	sfence  }
0xb7: {  	s30 =	sld [smem:$0x0];
	_ =	sdelay $0x2  }
0xb8: {  	s31 =	sshll.u32 s1, $0xD;
	s1 =	sshrl.u32 s1, $0x2  }
0xb9: {  	s3 =	sand.u32 $0x4000, s31;
	s1 =	sadd.s32 s1, s30  }
0xba: {  	s0 =	sor.u32 s3, s0;
	s1 =	sshll.u32 s1, $0x11  }
0xbb: {  	s0 =	sor.u32 s1, s0  }
0xbc: {  	s0 =	sadd.s32 $0x8F2B, s0  }
0xbd: {  	[sflag:s0] =	ssyncadd.remote.s32 $0x1  }
0xbe: {  	_ =	sfence.sel $0xFFFF  }
0xbf: {  	[dreg:$0x0] =	wrdreg $0xFFFFFFFF;
	(pc) =	sbr.abs _section_cstart, $3  }
0xc0: {  	[dreg:$0x1] =	wrdreg $0xFFFFFFFF  }
0xc1: {  	_ =	task.clear_ibuf [dreg:s7], $0x2FFFF;
	_ =	strace $0x9FFFFFFF  }
0xc2: {  	(tm) =	ssettm $0x7FFFFFFF  }
0xc3: {  	_ =	shalt  }
tec
execute0_lowered:
.L_overlay_start_1:
0x0: {  	(tag) =	ssettag $0x1  }
0x1: {  	v2 =	vlaneseq.u32  }
0x2: {  	v5 =	vmul.u32 $0x10, v2;
	_ =	sdelay $0x1  }
0x3: {  	v0 =	vor.u32 $0x1, v5  }
0x4: {  	[tilespmem:$0x1FE70] =	vst v0;
	v0 =	vor.u32 $0x2, v5  }
0x5: {  	[tilespmem:$0x1FE80] =	vst v0;
	v0 =	vor.u32 $0x3, v5  }
0x6: {  	[tilespmem:$0x1FE90] =	vst v0;
	v0 =	vor.u32 $0x4, v5  }
0x7: {  	[tilespmem:$0x1FEA0] =	vst v0;
	v0 =	vor.u32 $0x5, v5  }
0x8: {  	[tilespmem:$0x1FEB0] =	vst v0;
	v0 =	vor.u32 $0x6, v5  }
0x9: {  	[tilespmem:$0x1FEC0] =	vst v0;
	v0 =	vor.u32 $0x7, v5  }
0xa: {  	[tilespmem:$0x1FED0] =	vst v0;
	v0 =	vor.u32 $0x8, v5  }
0xb: {  	[tilespmem:$0x1FEE0] =	vst v0;
	v0 =	vor.u32 $0x9, v5  }
0xc: {  	[tilespmem:$0x1FEF0] =	vst v0;
	v0 =	vor.u32 $0x100, v5  }
0xd: {  	[tilespmem:$0x1FF00] =	vst v0;
	v0 =	vor.u32 $0x101, v5  }
0xe: {  	[tilespmem:$0x1FF10] =	vst v0;
	v0 =	vor.u32 $0x102, v5  }
0xf: {  	[tilespmem:$0x1FF20] =	vst v0;
	v0 =	vor.u32 $0x103, v5  }
0x10: {  	vm2 =	vcmask $0x300;
	vm1 =	vcmask $0x704;
	[tilespmem:$0x1FF30] =	vst v0;
	v0 =	vor.u32 $0x104, v5  }
0x11: {  	vm0 =	vcmask $0xB08;
	v1 =	vimm.s32 $0x632;
	[tilespmem:$0x1FF40] =	vst v0;
	v0 =	vor.u32 $0x105, v5  }
0x12: {  	v3 =	vimm.s32 $0x633;
	v1 =	vsel vm2, $0x602, v1;
	[tilespmem:$0x1FF50] =	vst v0;
	v0 =	vor.u32 $0x106, v5  }
0x13: {  	v3 =	vsel vm2, $0x603, v3;
	v1 =	vsel vm1, $0x612, v1;
	[tilespmem:$0x1FF60] =	vst v0;
	v0 =	vor.u32 $0x107, v5  }
0x14: {  	v36 =	vor.u32 $0x206, v5;
	v37 =	vor.u32 $0x207, v5;
	[tilespmem:$0x1FF70] =	vst v0;
	v0 =	vor.u32 $0x108, v5  }
0x15: {  	v38 =	vor.u32 $0x208, v5;
	v39 =	vor.u32 $0x209, v5;
	[tilespmem:$0x1FF80] =	vst v0;
	v0 =	vor.u32 $0x109, v5  }
0x16: {  	v40 =	vor.u32 $0x300, v5;
	v41 =	vor.u32 $0x301, v5;
	[tilespmem:$0x1FF90] =	vst v0;
	v0 =	vor.u32 $0x200, v5  }
0x17: {  	v42 =	vor.u32 $0x302, v5;
	v43 =	vor.u32 $0x303, v5;
	[tilespmem:$0x1FFA0] =	vst v0;
	v0 =	vor.u32 $0x201, v5  }
0x18: {  	v44 =	vor.u32 $0x304, v5;
	v45 =	vor.u32 $0x305, v5;
	[tilespmem:$0x1FFB0] =	vst v0;
	v0 =	vor.u32 $0x202, v5  }
0x19: {  	v46 =	vor.u32 $0x306, v5;
	v47 =	vor.u32 $0x307, v5;
	[tilespmem:$0x1FFC0] =	vst v0;
	v0 =	vor.u32 $0x203, v5  }
0x1a: {  	v48 =	vor.u32 $0x308, v5;
	v49 =	vor.u32 $0x309, v5;
	[tilespmem:$0x1FFD0] =	vst v0;
	v0 =	vor.u32 $0x204, v5  }
0x1b: {  	v50 =	vor.u32 $0x400, v5;
	v51 =	vor.u32 $0x401, v5;
	[tilespmem:$0x1FFE0] =	vst v0;
	v0 =	vor.u32 $0x205, v5  }
0x1c: {  	v52 =	vor.u32 $0x402, v5;
	v53 =	vor.u32 $0x403, v5;
	[tilespmem:$0x1FFF0] =	vst v0;
	v0 =	vimm.s32 $0x630  }
0x1d: {  	v56 =	vsel vm0, $0x622, v1;
	v1 =	vimm.s32 $0x635;
	v0 =	vsel vm2, $0x600, v0  }
0x1e: {  	v4 =	vor.u32 $0x407, v5;
	v6 =	vor.u32 $0x408, v5;
	v0 =	vsel vm1, $0x610, v0  }
0x1f: {  	v7 =	vor.u32 $0x409, v5;
	v54 =	vsel vm0, $0x620, v0;
	v0 =	vimm.s32 $0x631  }
0x20: {  	v8 =	vor.u32 $0x500, v5;
	v9 =	vor.u32 $0x501, v5;
	v0 =	vsel vm2, $0x601, v0  }
0x21: {  	s1 =	srdreg.scid;
	s5 =	rddreg [dreg:$0x0];
	v10 =	vor.u32 $0x502, v5;
	v11 =	vor.u32 $0x503, v5;
	v0 =	vsel vm1, $0x611, v0  }
0x22: {  	s0 =	stileid.u32;
	s7 =	rddreg [dreg:$0x1];
	v12 =	vor.u32 $0x504, v5;
	v55 =	vsel vm0, $0x621, v0;
	v0 =	vsel vm1, $0x613, v3  }
0x23: {  	s2 =	simm.s32 $0x0;
	s11 =	simm.s32 $0x6A40;
	s12 =	simm.s32 $0x6A50;
	v1 =	vsel vm2, $0x605, v1;
	v57 =	vsel vm0, $0x623, v0;
	v0 =	vimm.s32 $0x634  }
0x24: {  	s13 =	simm.s32 $0x1;
	s14 =	simm.s32 $0x6A60;
	s15 =	simm.s32 $0x6AD0;
	v1 =	vsel vm1, $0x615, v1;
	v3 =	vimm.s32 $0x636;
	v0 =	vsel vm2, $0x604, v0  }
0x25: {  	s16 =	simm.s32 $0x0;
	s6 =	sand.u32 $0x1, s1;
	s31 =	sshll.u32 s0, $0x1;
	v59 =	vsel vm0, $0x625, v1;
	v3 =	vsel vm2, $0x606, v3;
	v0 =	vsel vm1, $0x614, v0  }
0x26: {  	s1 =	rddreg [dreg:$0x2];
	s8 =	sor.u32 s6, s31;
	s6 =	ssub.s32 $0x2, s6;
	v1 =	vimm.s32 $0x638;
	v58 =	vsel vm0, $0x624, v0;
	v0 =	vsel vm1, $0x616, v3  }
0x27: {  	[smem:$0x7FF] =	sst s2;
	s3 =	smul.u32 $0xC80, s8;
	s10 =	sshrl.u32 s6, $0x1;
	v1 =	vsel vm2, $0x608, v1;
	v60 =	vsel vm0, $0x626, v0;
	v0 =	vimm.s32 $0x637  }
0x28: {  	s4 =	sadd.s32 $0x19A00, s5;
	s8 =	sshll.u32 s8, $0x6;
	s10 =	ssub.s32 s6, s10;
	v1 =	vsel vm1, $0x618, v1;
	v3 =	vimm.s32 $0x639;
	v0 =	vsel vm2, $0x607, v0  }
0x29: {  	s7 =	sadd.s32 s7, s8;
	s9 =	sadd.s32 s3, s5;
	s3 =	sadd.s32 $0x19800, s5;
	v62 =	vsel vm0, $0x628, v1;
	v3 =	vsel vm2, $0x609, v3;
	v0 =	vsel vm1, $0x617, v0  }
0x2a: {  	s5 =	sadd.s32 $0x19C00, s5;
	s8 =	smax.u32 s10, $0x1;
	s6 =	sadd.s32 $0x800, s9;
	v1 =	vor.u32 $0x405, v5;
	v61 =	vsel vm0, $0x627, v0;
	v0 =	vsel vm1, $0x619, v3  }
0x2b: {  	s10 =	simm.s32 $0x2;
	s9 =	simm.s32 $0x6400;
	_ =	strace $0x80000047;
	v3 =	vor.u32 $0x406, v5;
	v63 =	vsel vm0, $0x629, v0;
	v0 =	vor.u32 $0x404, v5  }
.LBB2_1:
0x2c: {  	[tilespmem:s2], [sflag:$0x1] =	stream.linear.gather [hbm4b:s6+s2], $0x6400, $0x38;
	[tilespmem:$0x6CD0] =	vst v63  }
0x2d: {  	_ = 	snop  }
0x2e: {  	[tilespmem:s9], [sflag:$0x2] =	stream.linear.gather [hbm4b:s3+s2], $0x640, $0x38;
	[tilespmem:$0x6CD0] =	vst v63  }
0x2f: {  	_ =	swait.ge [sflag:s10], $0x640  }
0x30: {  	[sflag:s10] =	ssyncset.done $0x0  }
0x31: {  	[sflag:s10] =	ssyncadd.s32 $0xFFFFF9C0  }
0x32: {  	[tilespmem:s11], [sflag:$0x2] =	stream.linear.gather [hbm4b:s4+s2], $0x10, $0x38;
	[tilespmem:$0x6CD0] =	vst v63  }
0x33: {  	_ =	swait.ge [sflag:s10], $0x10  }
0x34: {  	[sflag:s10] =	ssyncset.done $0x0  }
0x35: {  	v13 =	vimm.s32 $0x1;
	[sflag:s10] =	ssyncadd.s32 $0xFFFFFFF0  }
0x36: {  	[tilespmem:s12], [sflag:$0x2] =	stream.linear.gather [hbm4b:s5+s2], $0x10, $0x38;
	[tilespmem:$0x6CD0] =	vst v63  }
0x37: {  	_ =	swait.ge [sflag:s10], $0x10  }
0x38: {  	[sflag:s10] =	ssyncset.done $0x0  }
0x39: {  	[sflag:s10] =	ssyncadd.s32 $0xFFFFFFF0  }
0x3a: {  	v17 =	vld.idx.msk [tilespmem:v13+s11+$0x0], $0xffff  }
0x3b: {  	v13 =	vld [tilespmem:$0x1FE70];
	_ =	sdelay $0x7  }
0x3c: {  	v19 =	vld.idx.msk [tilespmem:v13+s9+$0x0], $0xffff;
	v13 =	vimm.s32 $0x2;
	_ =	sdelay $0x4  }
0x3d: {  	v18 =	vld.idx.msk [tilespmem:v13+s11+$0x0], $0xffff  }
0x3e: {  	v13 =	vld [tilespmem:$0x1FE80];
	_ =	sdelay $0x7  }
0x3f: {  	v20 =	vld.idx.msk [tilespmem:v13+s9+$0x0], $0xffff;
	v13 =	vimm.s32 $0x3;
	_ =	sdelay $0x1  }
0x40: {  	v16 =	vld.msk [tilespmem:s11+$0x0], $0xffff  }
0x41: {  	v15 =	vld.idx.msk [tilespmem:v5+s9+$0x0], $0xffff;
	_ =	sdelay $0x1  }
0x42: {  	v14 =	vld.idx.msk [tilespmem:v13+s11+$0x0], $0xffff  }
0x43: {  	v13 =	vld [tilespmem:$0x1FE90];
	_ =	sdelay $0x1  }
0x44: {  	v22 =	vmul.f32 v15, v16;
	v15 =	vld [tilespmem:$0x1FEA0];
	_ =	sdelay $0x3  }
0x45: {  	v24 =	vld [tilespmem:$0x1FEB0]  }
0x46: {  	v26 =	vld [tilespmem:$0x1FEC0]  }
0x47: {  	v21 =	vld.idx.msk [tilespmem:v13+s9+$0x0], $0xffff;
	v13 =	vimm.s32 $0x4  }
0x48: {  	v28 =	vld [tilespmem:$0x1FED0]  }
0x49: {  	v23 =	vld.idx.msk [tilespmem:v15+s9+$0x0], $0xffff;
	v15 =	vimm.s32 $0x5  }
0x4a: {  	v25 =	vimm.s32 $0x6;
	v30 =	vld [tilespmem:$0x1FEE0]  }
0x4b: {  	v33 =	vld [tilespmem:$0x1FEF0];
	v19 =	vmul.f32 v19, v17  }
0x4c: {  	v13 =	vld.idx.msk [tilespmem:v13+s11+$0x0], $0xffff  }
0x4d: {  	v27 =	vimm.s32 $0x7;
	v24 =	vld.idx.msk [tilespmem:v24+s9+$0x0], $0xffff;
	v22 =	vadd.f32 v19, v22;
	v20 =	vmul.f32 v20, v18  }
0x4e: {  	v15 =	vld.idx.msk [tilespmem:v15+s11+$0x0], $0xffff  }
0x4f: {  	v29 =	vimm.s32 $0x8;
	v19 =	vld.idx.msk [tilespmem:v25+s11+$0x0], $0xffff;
	v22 =	vadd.f32 v20, v22;
	v21 =	vmul.f32 v21, v14  }
0x50: {  	v25 =	vld.idx.msk [tilespmem:v26+s9+$0x0], $0xffff  }
0x51: {  	v31 =	vimm.s32 $0x9;
	v26 =	vld.idx.msk [tilespmem:v28+s9+$0x0], $0xffff;
	v22 =	vadd.f32 v21, v22;
	v23 =	vmul.f32 v23, v13  }
0x52: {  	v20 =	vld.idx.msk [tilespmem:v27+s11+$0x0], $0xffff  }
0x53: {  	v24 =	vmul.f32 v24, v15;
	v27 =	vld.idx.msk [tilespmem:v30+s9+$0x0], $0xffff;
	v23 =	vadd.f32 v23, v22  }
0x54: {  	v21 =	vld.idx.msk [tilespmem:v29+s11+$0x0], $0xffff  }
0x55: {  	v32 =	vmul.f32 v25, v19;
	v25 =	vld.idx.msk [tilespmem:v33+s9+$0x0], $0xffff;
	v23 =	vadd.f32 v24, v23  }
0x56: {  	v22 =	vld.idx.msk [tilespmem:v31+s11+$0x0], $0xffff  }
0x57: {  	v34 =	vmul.f32 v26, v20;
	v23 =	vadd.f32 v32, v23  }
0x58: {  	v29 =	vld [tilespmem:$0x1FF00]  }
0x59: {  	v30 =	vld [tilespmem:$0x1FF10];
	v35 =	vmul.f32 v27, v21;
	v23 =	vadd.f32 v34, v23  }
0x5a: {  	v31 =	vld [tilespmem:$0x1FF20]  }
0x5b: {  	v28 =	vmul.f32 v25, v22;
	v23 =	vadd.f32 v35, v23  }
0x5c: {  	v32 =	vld [tilespmem:$0x1FF30]  }
0x5d: {  	v23 =	vadd.f32 v28, v23  }
0x5e: {  	v33 =	vld [tilespmem:$0x1FF40]  }
0x5f: {  	v35 =	vld [tilespmem:$0x1FF50];
	[tilespmem:$0x6A60] =	vst v23  }
0x60: {  	v23 =	vld.idx.msk [tilespmem:v29+s9+$0x0], $0xffff  }
0x61: {  	v24 =	vld.idx.msk [tilespmem:v30+s9+$0x0], $0xffff  }
0x62: {  	v25 =	vld.idx.msk [tilespmem:v31+s9+$0x0], $0xffff  }
0x63: {  	v29 =	vld [tilespmem:$0x1FF60]  }
0x64: {  	v26 =	vld.idx.msk [tilespmem:v32+s9+$0x0], $0xffff  }
0x65: {  	v31 =	vld [tilespmem:$0x1FF70]  }
0x66: {  	v27 =	vld.idx.msk [tilespmem:v33+s9+$0x0], $0xffff;
	v23 =	vmul.f32 v23, v16;
	v24 =	vmul.f32 v24, v17  }
0x67: {  	v33 =	vld [tilespmem:$0x1FF80]  }
0x68: {  	v34 =	vmul.f32 v25, v18;
	v25 =	vld.idx.msk [tilespmem:v35+s9+$0x0], $0xffff;
	v23 =	vadd.f32 v24, v23  }
0x69: {  	v35 =	vld [tilespmem:$0x1FF90]  }
0x6a: {  	v28 =	vmul.f32 v26, v14;
	v23 =	vadd.f32 v34, v23  }
0x6b: {  	v26 =	vld.idx.msk [tilespmem:v29+s9+$0x0], $0xffff  }
0x6c: {  	v30 =	vmul.f32 v27, v13;
	v23 =	vadd.f32 v28, v23  }
0x6d: {  	v27 =	vld.idx.msk [tilespmem:v31+s9+$0x0], $0xffff  }
0x6e: {  	v32 =	vmul.f32 v25, v15;
	v23 =	vadd.f32 v30, v23  }
0x6f: {  	v25 =	vld.idx.msk [tilespmem:v33+s9+$0x0], $0xffff  }
0x70: {  	v34 =	vmul.f32 v26, v19;
	v23 =	vadd.f32 v32, v23  }
0x71: {  	v26 =	vld.idx.msk [tilespmem:v35+s9+$0x0], $0xffff  }
0x72: {  	v28 =	vmul.f32 v27, v20;
	v23 =	vadd.f32 v34, v23  }
0x73: {  	v31 =	vld [tilespmem:$0x1FFA0]  }
0x74: {  	v29 =	vmul.f32 v25, v21;
	v32 =	vld [tilespmem:$0x1FFB0];
	v23 =	vadd.f32 v28, v23;
	_ =	sdelay $0x1  }
0x75: {  	v33 =	vld [tilespmem:$0x1FFC0];
	v30 =	vmul.f32 v26, v22;
	v23 =	vadd.f32 v29, v23;
	_ =	sdelay $0x1  }
0x76: {  	v34 =	vld [tilespmem:$0x1FFD0];
	v23 =	vadd.f32 v30, v23  }
0x77: {  	v35 =	vld [tilespmem:$0x1FFE0]  }
0x78: {  	v29 =	vld [tilespmem:$0x1FFF0];
	[tilespmem:$0x6A70] =	vst v23  }
0x79: {  	v23 =	vld.idx.msk [tilespmem:v31+s9+$0x0], $0xffff  }
0x7a: {  	v24 =	vld.idx.msk [tilespmem:v32+s9+$0x0], $0xffff;
	_ =	sdelay $0x1  }
0x7b: {  	v25 =	vld.idx.msk [tilespmem:v33+s9+$0x0], $0xffff;
	_ =	sdelay $0x1  }
0x7c: {  	v26 =	vld.idx.msk [tilespmem:v34+s9+$0x0], $0xffff  }
0x7d: {  	v23 =	vmul.f32 v23, v16;
	v24 =	vmul.f32 v24, v17  }
0x7e: {  	v27 =	vld.idx.msk [tilespmem:v35+s9+$0x0], $0xffff  }
0x7f: {  	v28 =	vmul.f32 v25, v18;
	v23 =	vadd.f32 v24, v23  }
0x80: {  	v25 =	vld.idx.msk [tilespmem:v29+s9+$0x0], $0xffff  }
0x81: {  	v30 =	vmul.f32 v26, v14;
	v23 =	vadd.f32 v28, v23  }
0x82: {  	v31 =	vld.idx.msk [tilespmem:v36+s9+$0x0], $0xffff  }
0x83: {  	v32 =	vmul.f32 v27, v13;
	v23 =	vadd.f32 v30, v23  }
0x84: {  	v33 =	vld.idx.msk [tilespmem:v37+s9+$0x0], $0xffff  }
0x85: {  	v34 =	vmul.f32 v25, v15;
	v23 =	vadd.f32 v32, v23  }
0x86: {  	v35 =	vld.idx.msk [tilespmem:v38+s9+$0x0], $0xffff  }
0x87: {  	v28 =	vmul.f32 v31, v19;
	v23 =	vadd.f32 v34, v23  }
0x88: {  	v29 =	vld.idx.msk [tilespmem:v39+s9+$0x0], $0xffff  }
0x89: {  	v30 =	vmul.f32 v33, v20;
	v23 =	vadd.f32 v28, v23;
	_ =	sdelay $0x1  }
0x8a: {  	v31 =	vmul.f32 v35, v21;
	v23 =	vadd.f32 v30, v23;
	_ =	sdelay $0x1  }
0x8b: {  	v32 =	vmul.f32 v29, v22;
	v23 =	vadd.f32 v31, v23;
	_ =	sdelay $0x1  }
0x8c: {  	v23 =	vadd.f32 v32, v23;
	_ =	sdelay $0x1  }
0x8d: {  	[tilespmem:$0x6A80] =	vst v23  }
0x8e: {  	v23 =	vld.idx.msk [tilespmem:v40+s9+$0x0], $0xffff  }
0x8f: {  	v33 =	vld.idx.msk [tilespmem:v41+s9+$0x0], $0xffff;
	_ =	sdelay $0x1  }
0x90: {  	v34 =	vld.idx.msk [tilespmem:v42+s9+$0x0], $0xffff;
	_ =	sdelay $0x1  }
0x91: {  	v35 =	vld.idx.msk [tilespmem:v43+s9+$0x0], $0xffff  }
0x92: {  	v23 =	vmul.f32 v23, v16;
	v24 =	vmul.f32 v33, v17  }
0x93: {  	v30 =	vld.idx.msk [tilespmem:v44+s9+$0x0], $0xffff  }
0x94: {  	v31 =	vmul.f32 v34, v18;
	v23 =	vadd.f32 v24, v23  }
0x95: {  	v32 =	vld.idx.msk [tilespmem:v45+s9+$0x0], $0xffff  }
0x96: {  	v33 =	vmul.f32 v35, v14;
	v23 =	vadd.f32 v31, v23  }
0x97: {  	v34 =	vld.idx.msk [tilespmem:v46+s9+$0x0], $0xffff  }
0x98: {  	v35 =	vmul.f32 v30, v13;
	v23 =	vadd.f32 v33, v23  }
0x99: {  	v30 =	vld.idx.msk [tilespmem:v47+s9+$0x0], $0xffff  }
0x9a: {  	v31 =	vmul.f32 v32, v15;
	v23 =	vadd.f32 v35, v23  }
0x9b: {  	v32 =	vld.idx.msk [tilespmem:v48+s9+$0x0], $0xffff  }
0x9c: {  	v33 =	vmul.f32 v34, v19;
	v23 =	vadd.f32 v31, v23  }
0x9d: {  	v34 =	vld.idx.msk [tilespmem:v49+s9+$0x0], $0xffff  }
0x9e: {  	v35 =	vmul.f32 v30, v20;
	v23 =	vadd.f32 v33, v23;
	_ =	sdelay $0x1  }
0x9f: {  	v28 =	vmul.f32 v32, v21;
	v23 =	vadd.f32 v35, v23;
	_ =	sdelay $0x1  }
0xa0: {  	v29 =	vmul.f32 v34, v22;
	v23 =	vadd.f32 v28, v23;
	_ =	sdelay $0x1  }
0xa1: {  	v23 =	vadd.f32 v29, v23;
	_ =	sdelay $0x1  }
0xa2: {  	[tilespmem:$0x6A90] =	vst v23  }
0xa3: {  	v23 =	vld.idx.msk [tilespmem:v50+s9+$0x0], $0xffff  }
0xa4: {  	v30 =	vld.idx.msk [tilespmem:v51+s9+$0x0], $0xffff;
	_ =	sdelay $0x1  }
0xa5: {  	v31 =	vld.idx.msk [tilespmem:v52+s9+$0x0], $0xffff;
	_ =	sdelay $0x1  }
0xa6: {  	v32 =	vld.idx.msk [tilespmem:v53+s9+$0x0], $0xffff  }
0xa7: {  	v23 =	vmul.f32 v23, v16;
	v24 =	vmul.f32 v30, v17  }
0xa8: {  	v33 =	vld.idx.msk [tilespmem:v0+s9+$0x0], $0xffff  }
0xa9: {  	v34 =	vmul.f32 v31, v18;
	v23 =	vadd.f32 v24, v23  }
0xaa: {  	v35 =	vld.idx.msk [tilespmem:v1+s9+$0x0], $0xffff  }
0xab: {  	v30 =	vmul.f32 v32, v14;
	v23 =	vadd.f32 v34, v23  }
0xac: {  	v31 =	vld.idx.msk [tilespmem:v3+s9+$0x0], $0xffff  }
0xad: {  	v32 =	vmul.f32 v33, v13;
	v23 =	vadd.f32 v30, v23  }
0xae: {  	v33 =	vld.idx.msk [tilespmem:v4+s9+$0x0], $0xffff  }
0xaf: {  	v34 =	vmul.f32 v35, v15;
	v23 =	vadd.f32 v32, v23  }
0xb0: {  	v35 =	vld.idx.msk [tilespmem:v6+s9+$0x0], $0xffff  }
0xb1: {  	v28 =	vmul.f32 v31, v19;
	v23 =	vadd.f32 v34, v23  }
0xb2: {  	v29 =	vld.idx.msk [tilespmem:v7+s9+$0x0], $0xffff  }
0xb3: {  	v30 =	vmul.f32 v33, v20;
	v23 =	vadd.f32 v28, v23;
	_ =	sdelay $0x1  }
0xb4: {  	v31 =	vmul.f32 v35, v21;
	v23 =	vadd.f32 v30, v23;
	_ =	sdelay $0x1  }
0xb5: {  	v32 =	vmul.f32 v29, v22;
	v23 =	vadd.f32 v31, v23;
	_ =	sdelay $0x1  }
0xb6: {  	v23 =	vadd.f32 v32, v23;
	_ =	sdelay $0x1  }
0xb7: {  	[tilespmem:$0x6AA0] =	vst v23  }
0xb8: {  	v23 =	vld.idx.msk [tilespmem:v8+s9+$0x0], $0xffff  }
0xb9: {  	v33 =	vld.idx.msk [tilespmem:v9+s9+$0x0], $0xffff;
	_ =	sdelay $0x1  }
0xba: {  	v34 =	vld.idx.msk [tilespmem:v10+s9+$0x0], $0xffff  }
0xbb: {  	v35 =	vor.u32 $0x505, v5  }
0xbc: {  	v32 =	vld.idx.msk [tilespmem:v11+s9+$0x0], $0xffff  }
0xbd: {  	v28 =	vor.u32 $0x506, v5;
	v23 =	vmul.f32 v23, v16;
	v24 =	vmul.f32 v33, v17  }
0xbe: {  	v29 =	vld.idx.msk [tilespmem:v12+s9+$0x0], $0xffff  }
0xbf: {  	v25 =	vor.u32 $0x507, v5;
	v33 =	vmul.f32 v34, v18;
	v23 =	vadd.f32 v24, v23  }
0xc0: {  	v26 =	vld.idx.msk [tilespmem:v35+s9+$0x0], $0xffff  }
0xc1: {  	v35 =	vor.u32 $0x508, v5;
	v34 =	vmul.f32 v32, v14;
	v23 =	vadd.f32 v33, v23  }
0xc2: {  	v28 =	vld.idx.msk [tilespmem:v28+s9+$0x0], $0xffff  }
0xc3: {  	v32 =	vmul.f32 v29, v13;
	v33 =	vor.u32 $0x509, v5;
	v23 =	vadd.f32 v34, v23  }
0xc4: {  	v25 =	vld.idx.msk [tilespmem:v25+s9+$0x0], $0xffff  }
0xc5: {  	v34 =	vmul.f32 v26, v15;
	v23 =	vadd.f32 v32, v23  }
0xc6: {  	v35 =	vld.idx.msk [tilespmem:v35+s9+$0x0], $0xffff  }
0xc7: {  	v30 =	vmul.f32 v28, v19;
	v23 =	vadd.f32 v34, v23  }
0xc8: {  	v31 =	vld.idx.msk [tilespmem:v33+s9+$0x0], $0xffff  }
0xc9: {  	v32 =	vmul.f32 v25, v20;
	v23 =	vadd.f32 v30, v23;
	_ =	sdelay $0x1  }
0xca: {  	v33 =	vmul.f32 v35, v21;
	v23 =	vadd.f32 v32, v23;
	_ =	sdelay $0x1  }
0xcb: {  	v34 =	vmul.f32 v31, v22;
	v23 =	vadd.f32 v33, v23;
	_ =	sdelay $0x1  }
0xcc: {  	v23 =	vadd.f32 v34, v23;
	_ =	sdelay $0x1  }
0xcd: {  	[tilespmem:$0x6AB0] =	vst v23  }
0xce: {  	v23 =	vld.idx.msk [tilespmem:v54+s9+$0x0], $0xffff  }
0xcf: {  	v35 =	vld.idx.msk [tilespmem:v55+s9+$0x0], $0xffff;
	_ =	sdelay $0x1  }
0xd0: {  	v28 =	vld.idx.msk [tilespmem:v56+s9+$0x0], $0xffff;
	_ =	sdelay $0x1  }
0xd1: {  	v29 =	vld.idx.msk [tilespmem:v57+s9+$0x0], $0xffff  }
0xd2: {  	v16 =	vmul.f32 v23, v16;
	v17 =	vmul.f32 v35, v17  }
0xd3: {  	v30 =	vld.idx.msk [tilespmem:v58+s9+$0x0], $0xffff  }
0xd4: {  	v31 =	vmul.f32 v28, v18;
	v16 =	vadd.f32 v17, v16  }
0xd5: {  	v32 =	vld.idx.msk [tilespmem:v59+s9+$0x0], $0xffff  }
0xd6: {  	v14 =	vmul.f32 v29, v14;
	v16 =	vadd.f32 v31, v16  }
0xd7: {  	v33 =	vld.idx.msk [tilespmem:v60+s9+$0x0], $0xffff  }
0xd8: {  	v13 =	vmul.f32 v30, v13;
	v14 =	vadd.f32 v14, v16  }
0xd9: {  	v34 =	vld.idx.msk [tilespmem:v61+s9+$0x0], $0xffff  }
0xda: {  	v13 =	vadd.f32 v13, v14;
	v14 =	vmul.f32 v32, v15  }
0xdb: {  	v15 =	vld.idx.msk [tilespmem:v62+s9+$0x0], $0xffff  }
0xdc: {  	v13 =	vadd.f32 v14, v13;
	v14 =	vmul.f32 v33, v19  }
0xdd: {  	v35 =	vld.idx.msk [tilespmem:v63+s9+$0x0], $0xffff  }
0xde: {  	v13 =	vadd.f32 v14, v13;
	v14 =	vmul.f32 v34, v20;
	_ =	sdelay $0x1  }
0xdf: {  	v13 =	vadd.f32 v14, v13;
	v14 =	vmul.f32 v15, v21;
	_ =	sdelay $0x1  }
0xe0: {  	v13 =	vadd.f32 v14, v13;
	v14 =	vmul.f32 v35, v22;
	_ =	sdelay $0x1  }
0xe1: {  	v13 =	vadd.f32 v14, v13;
	_ =	sdelay $0x1  }
0xe2: {  	[tilespmem:$0x6AC0] =	vst v13  }
0xe3: {  	_ =	swait.ge [sflag:s13], $0x6400  }
0xe4: {  	[sflag:s13] =	ssyncset.done $0x0  }
0xe5: {  	[sflag:s13] =	ssyncadd.s32 $0xFFFF9C00  }
0xe6: {  	s17 =	simm.s32 $0x0;
	v13 =	vld [tilespmem:$0x6A50]  }
.LBB2_2:
0xe7: {  	s18 =	smul.u32 $0x320, s17;
	v14 =	vmul.u32 $0x32, v2;
	_ =	sdelay $0x1  }
0xe8: {  	s25 =	simm.s32 $0x0;
	v14 =	vadd.s32 s18, v14  }
0xe9: {  	s26 =	simm.s32 $0x1;
	v15 =	vadd.s32 s25, v14  }
0xea: {  	v16 =	vadd.s32 s26, v14;
	_ =	sdelay $0x3  }
0xeb: {  	s19 =	simm.s32 $0x4;
	v15 =	vld.idx.msk [tilespmem:v15+s2+$0x0], $0xffff  }
0xec: {  	s28 =	simm.s32 $0x3;
	v17 =	vadd.s32 s19, v14;
	v21 =	vld.idx.msk [tilespmem:v16+s2+$0x0], $0xffff  }
0xed: {  	s29 =	simm.s32 $0x2;
	v18 =	vadd.s32 s28, v14  }
0xee: {  	s30 =	simm.s32 $0x6;
	v19 =	vadd.s32 s29, v14  }
0xef: {  	v20 =	vadd.s32 s30, v14  }
0xf0: {  	v23 =	vand.u32 $0xFF, v15  }
0xf1: {  	v17 =	vld.idx.msk [tilespmem:v17+s2+$0x0], $0xffff;
	v22 =	vshrl.u32 v15, $0x8;
	v26 =	vand.u32 $0xFF, v21  }
0xf2: {  	v18 =	vld.idx.msk [tilespmem:v18+s2+$0x0], $0xffff;
	v22 =	vand.u32 $0xFF, v22  }
0xf3: {  	v19 =	vld.idx.msk [tilespmem:v19+s2+$0x0], $0xffff;
	v24 =	vshrl.u32 v15, $0x10;
	v25 =	vshrl.u32 v15, $0x18  }
0xf4: {  	s31 =	simm.s32 $0x5;
	v15 =	vld.idx.msk [tilespmem:v20+s2+$0x0], $0xffff;
	v20 =	vand.u32 $0xFF, v24  }
0xf5: {  	v16 =	vadd.s32 s31, v14;
	v24 =	vshrl.u32 v21, $0x8;
	v27 =	vld.idx.msk [tilespmem:v23+s14+$0x0], $0xffff  }
0xf6: {  	v28 =	vshrl.u32 v21, $0x18;
	v23 =	vand.u32 $0xFF, v24;
	v24 =	vshrl.u32 v21, $0x10;
	v21 =	vld.idx.msk [tilespmem:v26+s14+$0x0], $0xffff  }
0xf7: {  	v31 =	vld.idx.msk [tilespmem:v22+s14+$0x0], $0xffff  }
0xf8: {  	v22 =	vld.idx.msk [tilespmem:v25+s14+$0x0], $0xffff;
	v24 =	vand.u32 $0xFF, v24  }
0xf9: {  	v26 =	vshrl.u32 v19, $0x8;
	v25 =	vld.idx.msk [tilespmem:v20+s14+$0x0], $0xffff;
	v20 =	vand.u32 $0xFF, v19  }
0xfa: {  	v16 =	vld.idx.msk [tilespmem:v16+s2+$0x0], $0xffff;
	v29 =	vand.u32 $0xFF, v26  }
0xfb: {  	v32 =	vshrl.u32 v19, $0x10;
	v30 =	vshrl.u32 v19, $0x18;
	v19 =	vld.idx.msk [tilespmem:v28+s14+$0x0], $0xffff  }
0xfc: {  	v33 =	vimm.f32 $0.0e+00;
	v34 =	vshrl.u32 v18, $0x8;
	v28 =	vand.u32 $0xFF, v32;
	v23 =	vld.idx.msk [tilespmem:v23+s14+$0x0], $0xffff  }
0xfd: {  	v26 =	vand.u32 $0xFF, v18;
	v32 =	vadd.f32 v27, v33;
	v24 =	vld.idx.msk [tilespmem:v24+s14+$0x0], $0xffff;
	v33 =	vadd.f32 v31, v33  }
0xfe: {  	s18 =	simm.s32 $0x9;
	s19 =	simm.s32 $0xE;
	v27 =	vshrl.u32 v18, $0x18;
	v20 =	vld.idx.msk [tilespmem:v20+s14+$0x0], $0xffff;
	v31 =	vand.u32 $0xFF, v34  }
.LBB2_3:
0xff: {  	p0 =	sne.s32 s19, $0x31;
	v25 =	vadd.f32 v25, v32;
	v22 =	vadd.f32 v22, v33;
	v29 =	vld.idx.msk [tilespmem:v29+s14+$0x0], $0xffff;
	v18 =	vshrl.u32 v18, $0x10  }
0x100: {  	v32 =	vand.u32 $0xFF, v17;
	v30 =	vld.idx.msk [tilespmem:v30+s14+$0x0], $0xffff;
	v18 =	vand.u32 $0xFF, v18  }
0x101: {  	v21 =	vadd.f32 v21, v25;
	v22 =	vadd.f32 v23, v22;
	v23 =	vld.idx.msk [tilespmem:v28+s14+$0x0], $0xffff;
	v25 =	vshrl.u32 v17, $0x8  }
0x102: {  	v28 =	vshrl.u32 v17, $0x18;
	v26 =	vld.idx.msk [tilespmem:v26+s14+$0x0], $0xffff;
	v25 =	vand.u32 $0xFF, v25  }
0x103: {  	v17 =	vshrl.u32 v17, $0x10;
	v21 =	vadd.f32 v24, v21;
	v19 =	vadd.f32 v19, v22;
	v22 =	vld.idx.msk [tilespmem:v31+s14+$0x0], $0xffff  }
0x104: {  	v17 =	vand.u32 $0xFF, v17;
	v24 =	vld.idx.msk [tilespmem:v27+s14+$0x0], $0xffff  }
0x105: {  	s20 =	sadd.s32 $0xFFFFFFFF, s18;
	v27 =	vadd.s32 s18, v14;
	v20 =	vadd.f32 v20, v21;
	v19 =	vadd.f32 v29, v19;
	v21 =	vld.idx.msk [tilespmem:v18+s14+$0x0], $0xffff  }
0x106: {  	s21 =	sadd.s32 $0xFFFFFFFE, s18;
	s18 =	smov.u32 s19;
	v18 =	vadd.s32 s20, v14;
	v29 =	vld.idx.msk [tilespmem:v32+s14+$0x0], $0xffff  }
0x107: {  	v31 =	vadd.s32 s21, v14;
	s20 =	sadd.s32 $0xFFFFFFFD, s19;
	v20 =	vadd.f32 v23, v20;
	v19 =	vadd.f32 v30, v19;
	v23 =	vld.idx.msk [tilespmem:v25+s14+$0x0], $0xffff  }
0x108: {  	s21 =	sadd.s32 $0xFFFFFFFC, s19;
	v25 =	vadd.s32 s20, v14;
	v28 =	vld.idx.msk [tilespmem:v28+s14+$0x0], $0xffff  }
0x109: {  	v30 =	vadd.s32 s21, v14;
	v20 =	vadd.f32 v26, v20;
	v19 =	vadd.f32 v22, v19;
	v22 =	vld.idx.msk [tilespmem:v17+s14+$0x0], $0xffff  }
0x10a: {  	v32 =	vand.u32 $0xFF, v16;
	v26 =	vshrl.u32 v16, $0x8;
	v17 =	vld.idx.msk [tilespmem:v27+s2+$0x0], $0xffff  }
0x10b: {  	v26 =	vand.u32 $0xFF, v26;
	v18 =	vld.idx.msk [tilespmem:v18+s2+$0x0], $0xffff;
	v20 =	vadd.f32 v21, v20;
	v19 =	vadd.f32 v24, v19  }
0x10c: {  	v21 =	vshrl.u32 v16, $0x10;
	v24 =	vshrl.u32 v16, $0x18;
	v27 =	vld.idx.msk [tilespmem:v31+s2+$0x0], $0xffff  }
0x10d: {  	v21 =	vand.u32 $0xFF, v21;
	v31 =	vld.idx.msk [tilespmem:v25+s2+$0x0], $0xffff;
	v20 =	vadd.f32 v29, v20;
	v19 =	vadd.f32 v23, v19  }
0x10e: {  	v23 =	vshrl.u32 v15, $0x8;
	v29 =	vand.u32 $0xFF, v15;
	v16 =	vld.idx.msk [tilespmem:v30+s2+$0x0], $0xffff  }
0x10f: {  	v23 =	vand.u32 $0xFF, v23;
	v32 =	vld.idx.msk [tilespmem:v32+s14+$0x0], $0xffff;
	v20 =	vadd.f32 v22, v20;
	v33 =	vadd.f32 v28, v19  }
0x110: {  	v19 =	vshrl.u32 v15, $0x10;
	v34 =	vld.idx.msk [tilespmem:v26+s14+$0x0], $0xffff;
	v26 =	vshrl.u32 v15, $0x18  }
0x111: {  	v22 =	vld.idx.msk [tilespmem:v24+s14+$0x0], $0xffff;
	v24 =	vand.u32 $0xFF, v19  }
0x112: {  	v19 =	vshrl.u32 v27, $0x8;
	v35 =	vand.u32 $0xFF, v27;
	v25 =	vld.idx.msk [tilespmem:v21+s14+$0x0], $0xffff  }
.Ltmp0:
0x113: {  	v15 =	vmov v31;
	v21 =	vld.idx.msk [tilespmem:v29+s14+$0x0], $0xffff;
	v29 =	vand.u32 $0xFF, v19;
	(pc) =	sbr.rel @p0 .LBB2_3-.Ltmp0, $4  }
0x114: {  	v28 =	vshrl.u32 v27, $0x10;
	v30 =	vshrl.u32 v27, $0x18;
	v23 =	vld.idx.msk [tilespmem:v23+s14+$0x0], $0xffff  }
0x115: {  	v28 =	vand.u32 $0xFF, v28;
	v19 =	vld.idx.msk [tilespmem:v26+s14+$0x0], $0xffff;
	v26 =	vand.u32 $0xFF, v18  }
0x116: {  	v31 =	vshrl.u32 v18, $0x8;
	v32 =	vadd.f32 v32, v20;
	v33 =	vadd.f32 v34, v33;
	v24 =	vld.idx.msk [tilespmem:v24+s14+$0x0], $0xffff  }
0x117: {  	s19 =	sadd.s32 $0x5, s19;
	v27 =	vshrl.u32 v18, $0x18;
	v31 =	vand.u32 $0xFF, v31;
	v20 =	vld.idx.msk [tilespmem:v35+s14+$0x0], $0xffff  }
0x118: {  	_ =	sdelay $0x3  }
0x119: {  	v29 =	vld.idx.msk [tilespmem:v29+s14+$0x0], $0xffff  }
0x11a: {  	v18 =	vshrl.u32 v18, $0x10;
	v25 =	vadd.f32 v25, v32;
	v30 =	vld.idx.msk [tilespmem:v30+s14+$0x0], $0xffff;
	v32 =	vand.u32 $0xFF, v17  }
0x11b: {  	v22 =	vadd.f32 v22, v33;
	v28 =	vld.idx.msk [tilespmem:v28+s14+$0x0], $0xffff;
	v33 =	vshrl.u32 v17, $0x8;
	v18 =	vand.u32 $0xFF, v18  }
0x11c: {  	v21 =	vadd.f32 v21, v25;
	v25 =	vld.idx.msk [tilespmem:v26+s14+$0x0], $0xffff;
	v26 =	vand.u32 $0xFF, v33  }
0x11d: {  	v31 =	vld.idx.msk [tilespmem:v31+s14+$0x0], $0xffff;
	v22 =	vadd.f32 v23, v22;
	v23 =	vshrl.u32 v17, $0x18;
	v33 =	vshrl.u32 v17, $0x10  }
0x11e: {  	v27 =	vld.idx.msk [tilespmem:v27+s14+$0x0], $0xffff;
	v17 =	vand.u32 $0xFF, v33  }
0x11f: {  	s19 =	sadd.s32 $0xFFFFFFFE, s18;
	v21 =	vadd.f32 v24, v21;
	v19 =	vadd.f32 v19, v22;
	v22 =	vadd.s32 s18, v14;
	v24 =	vld.idx.msk [tilespmem:v32+s14+$0x0], $0xffff  }
0x120: {  	s30 =	sadd.s32 $0xFFFFFFFF, s18;
	v32 =	vadd.s32 s19, v14;
	v18 =	vld.idx.msk [tilespmem:v18+s14+$0x0], $0xffff  }
0x121: {  	v14 =	vadd.s32 s30, v14;
	v20 =	vadd.f32 v20, v21;
	v19 =	vadd.f32 v29, v19;
	v21 =	vld.idx.msk [tilespmem:v26+s14+$0x0], $0xffff  }
0x122: {  	v34 =	vshrl.u32 v16, $0x8;
	v29 =	vand.u32 $0xFF, v16;
	v23 =	vld.idx.msk [tilespmem:v23+s14+$0x0], $0xffff  }
0x123: {  	v26 =	vand.u32 $0xFF, v34;
	v20 =	vadd.f32 v28, v20;
	v19 =	vadd.f32 v30, v19;
	v17 =	vld.idx.msk [tilespmem:v17+s14+$0x0], $0xffff  }
0x124: {  	v35 =	vshrl.u32 v16, $0x10;
	v16 =	vshrl.u32 v16, $0x18;
	v22 =	vld.idx.msk [tilespmem:v22+s2+$0x0], $0xffff  }
0x125: {  	v28 =	vand.u32 $0xFF, v35;
	v20 =	vadd.f32 v25, v20;
	v19 =	vadd.f32 v31, v19;
	v25 =	vld.idx.msk [tilespmem:v32+s2+$0x0], $0xffff  }
0x126: {  	v33 =	vshrl.u32 v15, $0x8;
	v34 =	vand.u32 $0xFF, v15;
	v14 =	vld.idx.msk [tilespmem:v14+s2+$0x0], $0xffff  }
0x127: {  	v18 =	vadd.f32 v18, v20;
	v19 =	vadd.f32 v27, v19;
	v20 =	vld.idx.msk [tilespmem:v29+s14+$0x0], $0xffff;
	v27 =	vand.u32 $0xFF, v33  }
0x128: {  	v35 =	vshrl.u32 v15, $0x10;
	v15 =	vshrl.u32 v15, $0x18;
	v26 =	vld.idx.msk [tilespmem:v26+s14+$0x0], $0xffff  }
0x129: {  	v16 =	vld.idx.msk [tilespmem:v16+s14+$0x0], $0xffff;
	v18 =	vadd.f32 v24, v18;
	v19 =	vadd.f32 v21, v19;
	v21 =	vand.u32 $0xFF, v35  }
0x12a: {  	v24 =	vld.idx.msk [tilespmem:v28+s14+$0x0], $0xffff;
	v32 =	vshrl.u32 v25, $0x8;
	v29 =	vand.u32 $0xFF, v25  }
0x12b: {  	v17 =	vadd.f32 v17, v18;
	v33 =	vadd.f32 v23, v19;
	v19 =	vld.idx.msk [tilespmem:v34+s14+$0x0], $0xffff;
	v34 =	vand.u32 $0xFF, v32  }
0x12c: {  	v35 =	vshrl.u32 v25, $0x10;
	v25 =	vshrl.u32 v25, $0x18;
	v27 =	vld.idx.msk [tilespmem:v27+s14+$0x0], $0xffff  }
0x12d: {  	v15 =	vld.idx.msk [tilespmem:v15+s14+$0x0], $0xffff;
	v28 =	vand.u32 $0xFF, v35;
	v17 =	vadd.f32 v20, v17;
	v18 =	vadd.f32 v26, v33  }
0x12e: {  	v32 =	vand.u32 $0xFF, v14;
	v33 =	vshrl.u32 v14, $0x8;
	v21 =	vld.idx.msk [tilespmem:v21+s14+$0x0], $0xffff  }
0x12f: {  	v26 =	vand.u32 $0xFF, v33;
	v29 =	vld.idx.msk [tilespmem:v29+s14+$0x0], $0xffff;
	v17 =	vadd.f32 v24, v17;
	v16 =	vadd.f32 v16, v18  }
0x130: {  	v18 =	vshrl.u32 v14, $0x18;
	v14 =	vshrl.u32 v14, $0x10;
	v23 =	vld.idx.msk [tilespmem:v34+s14+$0x0], $0xffff  }
0x131: {  	v34 =	vld.idx.msk [tilespmem:v25+s14+$0x0], $0xffff;
	v14 =	vand.u32 $0xFF, v14;
	v17 =	vadd.f32 v19, v17;
	v16 =	vadd.f32 v27, v16  }
0x132: {  	v31 =	vshrl.u32 v22, $0x8;
	v35 =	vand.u32 $0xFF, v22;
	v30 =	vld.idx.msk [tilespmem:v28+s14+$0x0], $0xffff  }
0x133: {  	v20 =	vld.idx.msk [tilespmem:v32+s14+$0x0], $0xffff;
	v27 =	vand.u32 $0xFF, v31;
	v17 =	vadd.f32 v21, v17;
	v15 =	vadd.f32 v15, v16  }
0x134: {  	v32 =	vshrl.u32 v22, $0x18;
	v22 =	vshrl.u32 v22, $0x10;
	v33 =	vld.idx.msk [tilespmem:v26+s14+$0x0], $0xffff  }
0x135: {  	v22 =	vand.u32 $0xFF, v22;
	v18 =	vld.idx.msk [tilespmem:v18+s14+$0x0], $0xffff;
	v17 =	vadd.f32 v29, v17;
	v15 =	vadd.f32 v23, v15  }
0x136: {  	v14 =	vld.idx.msk [tilespmem:v14+s14+$0x0], $0xffff  }
0x137: {  	v19 =	vld.idx.msk [tilespmem:v35+s14+$0x0], $0xffff;
	v17 =	vadd.f32 v30, v17;
	v15 =	vadd.f32 v34, v15  }
0x138: {  	v34 =	vld.idx.msk [tilespmem:v27+s14+$0x0], $0xffff  }
0x139: {  	v16 =	vld.idx.msk [tilespmem:v32+s14+$0x0], $0xffff;
	v17 =	vadd.f32 v20, v17;
	v15 =	vadd.f32 v33, v15  }
0x13a: {  	v35 =	vld.idx.msk [tilespmem:v22+s14+$0x0], $0xffff  }
0x13b: {  	v14 =	vadd.f32 v14, v17;
	v15 =	vadd.f32 v18, v15;
	_ =	sdelay $0x1  }
0x13c: {  	v14 =	vadd.f32 v19, v14;
	v15 =	vadd.f32 v34, v15;
	_ =	sdelay $0x1  }
0x13d: {  	v14 =	vadd.f32 v35, v14;
	v15 =	vadd.f32 v16, v15;
	_ =	sdelay $0x1  }
0x13e: {  	v14 =	vadd.f32 v15, v14;
	_ =	sdelay $0x1  }
0x13f: {  	v14 =	vmul.f32 $4.999999890e-03, v14;
	_ =	sdelay $0x1  }
0x140: {  	v14 =	vadd.f32 v14, v13;
	_ =	sdelay $0x1  }
0x141: {  	v14 =	vsub.f32 $0.0e+00, v14;
	_ =	sdelay $0x1  }
0x142: {  	v14 =	vmul.f32 $1.442695020e+00, v14;
	_ =	sdelay $0x1  }
0x143: {  	(erf) = vpow2.f32 v14;
	_ =	sdelay $0x8  }
0x144: {  	v14 =	vpop (erf)  }
0x145: {  	v14 =	vadd.f32 $1.000000000e+00, v14;
	_ =	sdelay $0x1  }
0x146: {  	(erf) = vrcp.f32 v14;
	_ =	sdelay $0x3  }
0x147: {  	s31 =	sshll.u32 s17, $0x4;
	s17 =	sadd.s32 $0x1, s17  }
0x148: {  	p0 =	sne.s32 s17, $0x20  }
.Ltmp1:
0x149: {  	_ = 	snop;
	(pc) =	sbr.rel @p0 .LBB2_2-.Ltmp1, $3  }
0x14a: {  	_ =	sdelay $0x1  }
0x14b: {  	s18 =	sand.u32 $0x3FFFFFF0, s31;
	v14 =	vpop (erf)  }
0x14c: {  	[tilespmem:s18+$0x6AD0] =	vst v14  }
0x14d: {  	s16 =	sadd.s32 $0x1, s16  }
0x14e: {  	p0 =	sne.s32 s16, s8  }
.Ltmp2:
0x14f: {  	_ = 	snop;
	(pc) =	sbr.rel @p0 .LBB2_1-.Ltmp2, $4  }
0x150: {  	[hbm4b:s7+s2] =	stream.linear.scatter [tilespmem:s15], [sflag:$0x2], $0x200, $0x38;
	[tilespmem:$0x6CD0] =	vst v63  }
0x151: {  	_ =	swait.ge [sflag:s10], $0x200  }
0x152: {  	[sflag:s10] =	ssyncset.done $0x0  }
0x153: {  	[sflag:s10] =	ssyncadd.s32 $0xFFFFFE00  }
0x154: {  	_ =	sfence.sel $0x180000  }
0x155: {  	[bflag:$0x0] =	sbarrier.arrive $0xFFFF  }
0x156: {  	p0 =	sne.s32 s0, $0x0;
	_ =	strace $0x90000047  }
0x157: {  	s0 =	sadd.s32 @!p0 $0x100000, s1;
	[bflag:$0x2] =	sbarrier.arrive $0xFFFF  }
0x158: {  	[sflag:s0] =	ssyncadd.tile.s32 @!p0 $0x1;
	_ =	shalt  }
.Lfunc_end2:
_tile_overlayer_lowered:
.L_overlay_start_2:
0x159: {  	(tag) =	ssettag $0x2  }
0x15a: {  	s0 =	rddreg [dreg:$0x0];
	s2 =	stileid.u32  }
0x15b: {  	s1 =	rddreg [dreg:$0x1];
	p0 =	sne.s32 s2, $0x0  }
0x15c: {  	s3 =	rddreg [dreg:$0x2];
	[bflag:$0x3] =	sbarrier.arrive $0xFFFF;
	s2 =	simm.s32 @!p0 $0x1C02  }
0x15d: {  	[timem:s3], [sflag:s2] =	dma.local @!p0 [hbm:s0], s1  }
0x15e: {  	s0 =	simm.s32 @!p0 $0x2  }
0x15f: {  	_ =	swait.ge @!p0 [sflag:s0], s1  }
0x160: {  	s1 =	ssub.s32 @!p0 $0x0, s1;
	[sflag:s0] =	ssyncset.done @!p0 $0x0  }
0x161: {  	[sflag:s0] =	ssyncadd.s32 @!p0 s1  }
0x162: {  	[bflag:$0x3] =	sbarrier.arrive $0xFFFF  }
0x163: {  	_ =	shalt  }

</sc_bundles>
